<compile_context>
chip_gen: v7x
topology: tpu7x:2x2x1
jax: 0.10.2.dev20260603
libtpu: 0.0.44.dev20260713+nightly
codegen_flags: <defaults>
</compile_context>

<pallas_src>
import functools

import jax
import jax.numpy as jnp
from jax import lax
from jax.experimental import pallas as pl
from jax.experimental.pallas import tpu as pltpu
from jax.experimental.pallas import tpu_sc as plsc

F32 = jnp.float32

_NC = 2
_NS = 16
_NW = _NC * _NS
_CH = 80


def _tc1_body(x_ref, w_ref, b_ref, o_ref):
    o_ref[...] = (
        jnp.dot(x_ref[...], w_ref[...], preferred_element_type=F32) + b_ref[...]
    )


def _tc1(x, w, b, bn):
    n, d = x.shape
    k2 = w.shape[1]
    return pl.pallas_call(
        _tc1_body,
        grid=(n // bn,),
        in_specs=[
            pl.BlockSpec((bn, d), lambda i: (i, 0)),
            pl.BlockSpec((d, k2), lambda i: (0, 0)),
            pl.BlockSpec((1, k2), lambda i: (0, 0)),
        ],
        out_specs=pl.BlockSpec((bn, k2), lambda i: (i, 0)),
        out_shape=jax.ShapeDtypeStruct((n, k2), F32),
    )(x, w, b)


def _sc_gather_body(epw, d, xl_hbm, xr_hbm, src_hbm, dst_hbm, xle_out, xre_out,
                    idx_a, idx_b, buf_a, buf_b, sem_a, sem_b):
    wid = lax.axis_index("s") * _NC + lax.axis_index("c")
    base0 = wid * epw

    def body(i, _):
        base = base0 + i * _CH
        l_a = pltpu.async_copy(src_hbm.at[pl.ds(base, _CH)], idx_a, sem_a)
        l_b = pltpu.async_copy(dst_hbm.at[pl.ds(base, _CH)], idx_b, sem_b)
        l_a.wait()
        l_b.wait()
        cp_a = pltpu.async_copy(xl_hbm.at[idx_a], buf_a, sem_a)
        cp_b = pltpu.async_copy(xr_hbm.at[idx_b], buf_b, sem_b)
        cp_a.wait()
        cp_b.wait()
        w_a = pltpu.async_copy(buf_a, xle_out.at[pl.ds(base, _CH)], sem_a)
        w_b = pltpu.async_copy(buf_b, xre_out.at[pl.ds(base, _CH)], sem_b)
        w_a.wait()
        w_b.wait()
        return ()

    lax.fori_loop(0, epw // _CH, body, ())


def _sc_gather(xl, xr, src, dst):
    e = src.shape[0]
    n, d = xl.shape
    epw = e // _NW
    mesh = plsc.VectorSubcoreMesh(core_axis_name="c", subcore_axis_name="s")
    f = pl.kernel(
        functools.partial(_sc_gather_body, epw, d),
        out_type=[
            jax.ShapeDtypeStruct((e, d), F32),
            jax.ShapeDtypeStruct((e, d), F32),
        ],
        mesh=mesh,
        scratch_types=[
            pltpu.VMEM((_CH,), jnp.int32),
            pltpu.VMEM((_CH,), jnp.int32),
            pltpu.VMEM((_CH, d), F32),
            pltpu.VMEM((_CH, d), F32),
            pltpu.SemaphoreType.DMA,
            pltpu.SemaphoreType.DMA,
        ],
    )
    return f(xl, xr, src, dst)


def _tc2_body(xl_ref, xr_ref, ea_ref, we_ref, asel_ref, oexp_ref,
              msg_ref, wext_ref):
    xl = xl_ref[...]
    e0 = jnp.dot(ea_ref[...], we_ref[...], preferred_element_type=F32)
    m = xl + xr_ref[...] + e0
    m = jnp.where(m >= 0.0, m, 0.2 * m)
    a = jnp.dot(m, asel_ref[...], preferred_element_type=F32)
    w = jnp.exp(a)
    wx = jnp.dot(w, oexp_ref[...], preferred_element_type=F32)
    be = w.shape[0]
    d = xl.shape[1]
    ones = jnp.ones((be, 1), F32)
    pad = jnp.zeros((be, d - 25), F32)
    msg_ref[...] = xl * wx
    wext_ref[...] = jnp.concatenate([w, ea_ref[...], ones, pad], axis=1)


def _tc2(xle, xre, ea, we, asel, oexp, be):
    e, d = xle.shape
    ed = ea.shape[1]
    return pl.pallas_call(
        _tc2_body,
        grid=(e // be,),
        in_specs=[
            pl.BlockSpec((be, d), lambda i: (i, 0)),
            pl.BlockSpec((be, d), lambda i: (i, 0)),
            pl.BlockSpec((be, ed), lambda i: (i, 0)),
            pl.BlockSpec((ed, d), lambda i: (0, 0)),
            pl.BlockSpec((d, 8), lambda i: (0, 0)),
            pl.BlockSpec((8, d), lambda i: (0, 0)),
        ],
        out_specs=[
            pl.BlockSpec((be, d), lambda i: (i, 0)),
            pl.BlockSpec((be, d), lambda i: (i, 0)),
        ],
        out_shape=[
            jax.ShapeDtypeStruct((e, d), F32),
            jax.ShapeDtypeStruct((e, d), F32),
        ],
    )(xle, xre, ea, we, asel, oexp)


def _sc_scatter_body(epw, n, d, msg_hbm, wext_hbm, dst_hbm, za_hbm,
                     outa, outb, acc, idx_v, buf, sem_a, sem_b):
    cid = lax.axis_index("c")
    sid = lax.axis_index("s")
    wid = sid * _NC + cid
    nz = n // _CH
    kz = (nz + _NS - 1) // _NS
    ii = lax.iota(jnp.int32, 16)
    base0 = wid * epw

    def make_idx(k):
        ch = jnp.minimum(sid + k * _NS, nz - 1)
        base = ch * _CH
        for j in range(_CH // 16):
            idx_v[pl.ds(j * 16, 16)] = base + j * 16 + ii
        return base

    def zbody(k, _):
        make_idx(k)
        pltpu.sync_copy(buf, acc.at[idx_v])
        return ()

    def scatter_loop(src_hbm):
        def body(i, _):
            base = base0 + i * _CH
            l_i = pltpu.async_copy(dst_hbm.at[pl.ds(base, _CH)], idx_v, sem_a)
            l_r = pltpu.async_copy(src_hbm.at[pl.ds(base, _CH)], buf, sem_b)
            l_i.wait()
            l_r.wait()
            pltpu.sync_copy(buf, acc.at[idx_v], add=True)
            return ()

        lax.fori_loop(0, epw // _CH, body, ())

    def cout_loop(out_hbm):
        def cbody(k, _):
            base = make_idx(k)
            pltpu.sync_copy(acc.at[idx_v], buf)
            pltpu.sync_copy(buf, out_hbm.at[pl.ds(cid * n + base, _CH)])
            return ()

        lax.fori_loop(0, kz, cbody, ())

    pltpu.sync_copy(za_hbm.at[pl.ds(0, _CH)], buf)
    lax.fori_loop(0, kz, zbody, ())
    plsc.subcore_barrier()
    scatter_loop(msg_hbm)
    plsc.subcore_barrier()
    cout_loop(outa)
    plsc.subcore_barrier()

    pltpu.sync_copy(za_hbm.at[pl.ds(0, _CH)], buf)
    lax.fori_loop(0, kz, zbody, ())
    plsc.subcore_barrier()
    scatter_loop(wext_hbm)
    plsc.subcore_barrier()
    cout_loop(outb)


def _sc_scatter(msg, wext, dst, za, n):
    e, d = msg.shape
    epw = e // _NW
    mesh = plsc.VectorSubcoreMesh(core_axis_name="c", subcore_axis_name="s")
    f = pl.kernel(
        functools.partial(_sc_scatter_body, epw, n, d),
        out_type=[
            jax.ShapeDtypeStruct((2 * n, d), F32),
            jax.ShapeDtypeStruct((2 * n, d), F32),
        ],
        mesh=mesh,
        scratch_types=[
            pltpu.VMEM_SHARED((n, d), F32),
            pltpu.VMEM((_CH,), jnp.int32),
            pltpu.VMEM((_CH, d), F32),
            pltpu.SemaphoreType.DMA,
            pltpu.SemaphoreType.DMA,
        ],
    )
    return f(msg, wext, dst, za)


def _tc3a_body(nb, pa0_ref, pa1_ref, pb0_ref, pb1_ref, x_ref, xl_ref, xr_ref,
               pb_ref, we_ref, asel_ref, oexp_ref, bias_ref,
               out_ref, s0_ref, s1_ref, s2_ref):
    i = pl.program_id(0)

    @pl.when(i == 0)
    def _():
        s0_ref[...] = jnp.zeros_like(s0_ref)
        s1_ref[...] = jnp.zeros_like(s1_ref)
        s2_ref[...] = jnp.zeros_like(s2_ref)

    xl = xl_ref[...]
    b0 = pb0_ref[...] + pb1_ref[...]
    cnt = b0[:, 24:25]
    loop_attr = b0[:, 8:24] / jnp.maximum(cnt, 1.0)
    e_loop = jnp.dot(loop_attr, we_ref[...], preferred_element_type=F32)
    m = xl + xr_ref[...] + e_loop
    m = jnp.where(m >= 0.0, m, 0.2 * m)
    a = jnp.dot(m, asel_ref[...], preferred_element_type=F32)
    w_self = jnp.exp(a)
    denom8 = b0[:, 0:8] + w_self
    numer = (pa0_ref[...] + pa1_ref[...]
             + xl * jnp.dot(w_self, oexp_ref[...], preferred_element_type=F32))
    denom = jnp.dot(denom8, oexp_ref[...], preferred_element_type=F32)
    out = numer / denom + bias_ref[...] + x_ref[...]
    out_ref[...] = out

    pb = pb_ref[...]
    dn = (((0,), (0,)), ((), ()))
    s0_ref[...] += lax.dot_general(pb, jnp.ones_like(out), dn,
                                   preferred_element_type=F32)
    s1_ref[...] += lax.dot_general(pb, out, dn, preferred_element_type=F32)
    s2_ref[...] += lax.dot_general(pb, out * out, dn,
                                   preferred_element_type=F32)


def _tc3a(pa0, pa1, pb0, pb1, x, xl, xr, pb, we, asel, oexp, bias, bn):
    n, d = x.shape
    g = pb.shape[1]
    nb = n // bn
    stat = jax.ShapeDtypeStruct((g, d), F32)
    return pl.pallas_call(
        functools.partial(_tc3a_body, nb),
        grid=(nb,),
        in_specs=[
            pl.BlockSpec((bn, d), lambda i: (i, 0)),
            pl.BlockSpec((bn, d), lambda i: (i, 0)),
            pl.BlockSpec((bn, d), lambda i: (i, 0)),
            pl.BlockSpec((bn, d), lambda i: (i, 0)),
            pl.BlockSpec((bn, d), lambda i: (i, 0)),
            pl.BlockSpec((bn, d), lambda i: (i, 0)),
            pl.BlockSpec((bn, d), lambda i: (i, 0)),
            pl.BlockSpec((bn, g), lambda i: (i, 0)),
            pl.BlockSpec((16, d), lambda i: (0, 0)),
            pl.BlockSpec((d, 8), lambda i: (0, 0)),
            pl.BlockSpec((8, d), lambda i: (0, 0)),
            pl.BlockSpec((1, d), lambda i: (0, 0)),
        ],
        out_specs=[
            pl.BlockSpec((bn, d), lambda i: (i, 0)),
            pl.BlockSpec((g, d), lambda i: (0, 0)),
            pl.BlockSpec((g, d), lambda i: (0, 0)),
            pl.BlockSpec((g, d), lambda i: (0, 0)),
        ],
        out_shape=[jax.ShapeDtypeStruct((n, d), F32), stat, stat, stat],
    )(pa0, pa1, pb0, pb1, x, xl, xr, pb, we, asel, oexp, bias)


def _tc3b_body(op_ref, pb_ref, s0_ref, s1_ref, s2_ref, ms_ref, gw_ref, gb_ref,
               out_ref):
    cnt = jnp.maximum(s0_ref[...], 1.0)
    mean = s1_ref[...] / cnt
    s = ms_ref[...]
    var = s2_ref[...] / cnt + (s * s - 2.0 * s) * mean * mean
    std = jnp.sqrt(var + 1e-5)
    pb = pb_ref[...]
    meanb = jnp.dot(pb, mean, preferred_element_type=F32)
    stdb = jnp.dot(pb, std, preferred_element_type=F32)
    o = (op_ref[...] - s * meanb) / stdb * gw_ref[...] + gb_ref[...]
    out_ref[...] = jnp.where(o > 0.0, o, jnp.exp(jnp.minimum(o, 0.0)) - 1.0)


def _tc3b(out_pre, pb, s0, s1, s2, ms, gw, gb, bn):
    n, d = out_pre.shape
    g = pb.shape[1]
    return pl.pallas_call(
        _tc3b_body,
        grid=(n // bn,),
        in_specs=[
            pl.BlockSpec((bn, d), lambda i: (i, 0)),
            pl.BlockSpec((bn, g), lambda i: (i, 0)),
            pl.BlockSpec((g, d), lambda i: (0, 0)),
            pl.BlockSpec((g, d), lambda i: (0, 0)),
            pl.BlockSpec((g, d), lambda i: (0, 0)),
            pl.BlockSpec((1, d), lambda i: (0, 0)),
            pl.BlockSpec((1, d), lambda i: (0, 0)),
            pl.BlockSpec((1, d), lambda i: (0, 0)),
        ],
        out_specs=pl.BlockSpec((bn, d), lambda i: (i, 0)),
        out_shape=jax.ShapeDtypeStruct((n, d), F32),
    )(out_pre, pb, s0, s1, s2, ms, gw, gb)


def kernel(x, edge_index, edge_attr, batch, W_l, b_l, W_r, b_r, W_e, att,
           bias, gn_weight, gn_bias, gn_mean_scale):
    n, d = x.shape
    e = edge_index.shape[1]
    h, c = att.shape
    g = 16

    src = edge_index[0].astype(jnp.int32)
    dst = edge_index[1].astype(jnp.int32)

    attflat = att.reshape(h * c)
    hsel = (jnp.arange(d)[:, None] // c == jnp.arange(h)[None, :]).astype(F32)
    asel = hsel * attflat[:, None]
    oexp = hsel.T
    pb = (batch[:, None] == jnp.arange(g)[None, :]).astype(F32)

    wlr = jnp.concatenate([W_l, W_r], axis=1)
    blr = jnp.concatenate([b_l, b_r]).reshape(1, 2 * d)
    xlr = _tc1(x, wlr, blr, bn=1000)
    xl, xr = xlr[:, :d], xlr[:, d:]

    xle, xre = _sc_gather(xl, xr, src, dst)
    msg, wext = _tc2(xle, xre, edge_attr, W_e, asel, oexp, be=2000)

    za = jnp.zeros((_CH, d), F32)
    outa, outb = _sc_scatter(msg, wext, dst, za, n)
    pa0, pa1 = outa[:n], outa[n:]
    pb0, pb1 = outb[:n], outb[n:]

    out_pre, s0, s1, s2 = _tc3a(pa0, pa1, pb0, pb1, x, xl, xr, pb, W_e, asel,
                                oexp, bias.reshape(1, d), bn=1000)
    return _tc3b(out_pre, pb, s0, s1, s2, gn_mean_scale.reshape(1, d),
                 gn_weight.reshape(1, d), gn_bias.reshape(1, d), bn=1000)

# --- scband reference (transcript-rebuilt; emitter-appended) ---
"""Pipeline reference for scband-gatlayer-4355096838265 (READ-ONLY COPY).

The authoritative reference and input builder live on the scoring server;
editing this copy changes nothing except your own understanding.
"""

import jax, jax.numpy as jnp
import numpy as np

N = 10000
E = 320000
D = 128
H = 8
C = 16  # out_channels per head = 128 // 8
ED = 16
G = 16  # number of graphs in batch vector


def setup_inputs(seed: int = 0) -> dict:
    key = jax.random.key(seed)
    ks = jax.random.split(key, 16)
    x = jax.random.normal(ks[0], (N, D), dtype=jnp.float32)
    edge_index = jax.random.randint(ks[1], (2, E), 0, N)
    edge_attr = jax.random.normal(ks[2], (E, ED), dtype=jnp.float32)
    batch = jnp.sort(jax.random.randint(ks[3], (N,), 0, G))
    s = 1.0 / np.sqrt(D)
    W_l = jax.random.normal(ks[4], (D, H * C), dtype=jnp.float32) * s
    b_l = jnp.zeros((H * C,), dtype=jnp.float32)
    W_r = jax.random.normal(ks[5], (D, H * C), dtype=jnp.float32) * s
    b_r = jnp.zeros((H * C,), dtype=jnp.float32)
    W_e = jax.random.normal(ks[6], (ED, H * C), dtype=jnp.float32) * (1.0 / np.sqrt(ED))
    att = jax.random.normal(ks[7], (H, C), dtype=jnp.float32) * (1.0 / np.sqrt(C))
    bias = jnp.zeros((H * C,), dtype=jnp.float32)
    gn_weight = jnp.ones((H * C,), dtype=jnp.float32)
    gn_bias = jnp.zeros((H * C,), dtype=jnp.float32)
    gn_mean_scale = jnp.ones((H * C,), dtype=jnp.float32)
    return {"x": x, "edge_index": edge_index, "edge_attr": edge_attr, "batch": batch,
            "W_l": W_l, "b_l": b_l, "W_r": W_r, "b_r": b_r, "W_e": W_e, "att": att,
            "bias": bias, "gn_weight": gn_weight, "gn_bias": gn_bias, "gn_mean_scale": gn_mean_scale}


def reference(x, edge_index, edge_attr, batch, W_l, b_l, W_r, b_r, W_e, att, bias, gn_weight, gn_bias, gn_mean_scale):
    n = x.shape[0]
    src0, dst0 = edge_index[0], edge_index[1]
    # add_self_loops with fill_value='mean' on edge_attr (mean of incoming edge feats per node)
    loop_sum = jax.ops.segment_sum(edge_attr, dst0, num_segments=n)
    cnt = jax.ops.segment_sum(jnp.ones((edge_attr.shape[0],), dtype=jnp.float32), dst0, num_segments=n)
    loop_attr = loop_sum / jnp.clip(cnt, 1.0)[:, None]
    ar = jnp.arange(n, dtype=src0.dtype)
    src = jnp.concatenate([src0, ar])
    dst = jnp.concatenate([dst0, ar])
    ea = jnp.concatenate([edge_attr, loop_attr], axis=0)
    # GATv2 linear transforms
    x_l = (x @ W_l + b_l).reshape(n, H, C)
    x_r = (x @ W_r + b_r).reshape(n, H, C)
    e = (ea @ W_e).reshape(-1, H, C)
    m = x_l[src] + x_r[dst] + e
    m = jax.nn.leaky_relu(m, negative_slope=0.2)
    alpha = (m * att[None, :, :]).sum(-1)  # [E', H]
    amax = jax.ops.segment_max(alpha, dst, num_segments=n)
    alpha = jnp.exp(alpha - amax[dst])
    denom = jax.ops.segment_sum(alpha, dst, num_segments=n)
    alpha = alpha / denom[dst]
    # dropout on alpha: eval mode -> identity
    msg = x_l[src] * alpha[:, :, None]
    out = jax.ops.segment_sum(msg, dst, num_segments=n)
    out = out.reshape(n, H * C) + bias
    # residual: input_dim == output_dim -> Identity
    out = out + x
    # GraphNorm over batch segments
    gcnt = jnp.clip(jax.ops.segment_sum(jnp.ones((n,), dtype=jnp.float32), batch, num_segments=G), 1.0)
    mean = jax.ops.segment_sum(out, batch, num_segments=G) / gcnt[:, None]
    out_c = out - gn_mean_scale[None, :] * mean[batch]
    var = jax.ops.segment_sum(out_c * out_c, batch, num_segments=G) / gcnt[:, None]
    std = jnp.sqrt(var + 1e-5)
    out = out_c / std[batch] * gn_weight[None, :] + gn_bias[None, :]
    out = jax.nn.elu(out)
    # final dropout: eval mode -> identity
    return out

if __name__ == "__main__":
    import jax
    _d = setup_inputs()
    print(jax.jit(kernel)(*tuple(_d.values())))

</pallas_src>

<mosaic_0001>
#map = affine_map<(d0, d1) -> (0, 0)>
#map1 = affine_map<(d0, d1) -> (0)>
module attributes {stable_mosaic.version = 14 : i64} {
  func.func @_sc_scatter_body(%arg0: i32, %arg1: i32, %arg2: memref<320000x128xf32, #tpu.memory_space<hbm>>, %arg3: memref<320000x128xf32, #tpu.memory_space<hbm>>, %arg4: memref<320000xi32, #tpu.memory_space<hbm>>, %arg5: memref<80x128xf32, #tpu.memory_space<hbm>>, %arg6: memref<20000x128xf32, #tpu.memory_space<hbm>>, %arg7: memref<20000x128xf32, #tpu.memory_space<hbm>>, %arg8: memref<10000x128xf32, #tpu.memory_space<vmem_shared>>, %arg9: memref<80xi32, #tpu.memory_space<vmem>>, %arg10: memref<80x128xf32, #tpu.memory_space<vmem>>, %arg11: memref<!tpu.dma_semaphore, #tpu.memory_space<semaphore_mem>>, %arg12: memref<!tpu.dma_semaphore, #tpu.memory_space<semaphore_mem>>) attributes {dimension_semantics = [#tpu.dimension_semantics<core_parallel>, #tpu.dimension_semantics<subcore_parallel>], iteration_bounds = array<i64: 2, 16>, scalar_prefetch = 0 : i64, scratch_operands = 5 : i64, tpu.core_type = #tpu.core_type<sc_vector_subcore>, window_params = [{transform_indices = #map}, {transform_indices = #map}, {transform_indices = #map1}, {transform_indices = #map}, {transform_indices = #map}, {transform_indices = #map}]} {
    %mul3A = arith.constant 2 : i32
    %mul3A_0 = arith.muli %arg1, %mul3A : i32
    %add3A = arith.addi %mul3A_0, %arg0 : i32
    %iota3A = tpu.iota {dimensions = array<i32: 0>} : vector<16xi32>
    %mul3A_1 = arith.constant 10000 : i32
    %mul3A_2 = arith.muli %add3A, %mul3A_1 : i32
    "tpu.region"() ({
      %run_scoped3A = tpu.sem_alloc : memref<!tpu.dma_semaphore, #tpu.memory_space<semaphore_mem>>
      %dma_start3A = arith.constant 0 : i32
      %dma_start3A_36 = arith.constant 0 : i32
      %dma_start3A_37 = tpu.memref_slice %arg5[%dma_start3A, %dma_start3A_36] : memref<80x128xf32, #tpu.memory_space<hbm>> -> memref<80x128xf32, #tpu.memory_space<hbm>>
      %dma_start3A_38 = arith.constant 0 : i32
      %dma_start3A_39 = arith.constant 0 : i32
      %dma_start3A_40 = tpu.memref_slice %arg5[%dma_start3A_38, %dma_start3A_39] : memref<80x128xf32, #tpu.memory_space<hbm>> -> memref<80x128xf32, #tpu.memory_space<hbm>>
      tpu.enqueue_dma source(%dma_start3A_40 : memref<80x128xf32, #tpu.memory_space<hbm>>) target(%arg10 : memref<80x128xf32, #tpu.memory_space<vmem>>) target_semaphore(%run_scoped3A : memref<!tpu.dma_semaphore, #tpu.memory_space<semaphore_mem>>)
      %dma_wait3A = arith.constant 0 : i32
      %dma_wait3A_41 = arith.constant 0 : i32
      %dma_wait3A_42 = tpu.memref_slice %arg5[%dma_wait3A, %dma_wait3A_41] : memref<80x128xf32, #tpu.memory_space<hbm>> -> memref<80x128xf32, #tpu.memory_space<hbm>>
      %dma_wait3A_43 = arith.constant 0 : i32
      %dma_wait3A_44 = arith.constant 0 : i32
      %dma_wait3A_45 = tpu.memref_slice %arg5[%dma_wait3A_43, %dma_wait3A_44] : memref<80x128xf32, #tpu.memory_space<hbm>> -> memref<80x128xf32, #tpu.memory_space<hbm>>
      tpu.wait_dma2 semaphore(%run_scoped3A : memref<!tpu.dma_semaphore, #tpu.memory_space<semaphore_mem>>) src(%dma_wait3A_45 : memref<80x128xf32, #tpu.memory_space<hbm>>) dst(%arg10 : memref<80x128xf32, #tpu.memory_space<vmem>>)
      tpu.yield
    }) : () -> ()
    %scan3A = arith.constant 0 : i32
    %scan3A_3 = arith.constant 8 : i32
    %scan3A_4 = arith.addi %scan3A, %scan3A_3 : i32
    %scan3A_5 = arith.constant 1 : i32
    scf.for %scan3A_36 = %scan3A to %scan3A_4 step %scan3A_5  : i32 {
      %mul3A_37 = arith.constant 16 : i32
      %mul3A_38 = arith.muli %scan3A_36, %mul3A_37 : i32
      %add3A_39 = arith.addi %arg1, %mul3A_38 : i32
      %min3A = arith.constant 124 : i32
      %min3A_40 = arith.minsi %add3A_39, %min3A : i32
      %mul3A_41 = arith.constant 80 : i32
      %mul3A_42 = arith.muli %min3A_40, %mul3A_41 : i32
      %add3A_43 = arith.constant 0 : i32
      %add3A_44 = arith.addi %mul3A_42, %add3A_43 : i32
      %add3A_45 = vector.broadcast %add3A_44 : i32 to vector<16xi32>
      %add3A_46 = arith.addi %add3A_45, %iota3A : vector<16xi32>
      %swap3A = arith.constant 0 : index
      %swap3A_47 = tpu.vector_load %arg9[%swap3A] {strides = array<i32>} : memref<80xi32, #tpu.memory_space<vmem>>, vector<16xi32>,
      %swap3A_48 = vector.shape_cast %swap3A_47 : vector<16xi32> to vector<16xi32>
      %swap3A_49 = vector.shape_cast %add3A_46 : vector<16xi32> to vector<16xi32>
      tpu.vector_store %arg9[%swap3A], %swap3A_49 {strides = array<i32>} : memref<80xi32, #tpu.memory_space<vmem>>, vector<16xi32>,
      %add3A_50 = arith.constant 16 : i32
      %add3A_51 = arith.addi %mul3A_42, %add3A_50 : i32
      %add3A_52 = vector.broadcast %add3A_51 : i32 to vector<16xi32>
      %add3A_53 = arith.addi %add3A_52, %iota3A : vector<16xi32>
      %swap3A_54 = arith.constant 16 : index
      %swap3A_55 = tpu.vector_load %arg9[%swap3A_54] {strides = array<i32>} : memref<80xi32, #tpu.memory_space<vmem>>, vector<16xi32>,
      %swap3A_56 = vector.shape_cast %swap3A_55 : vector<16xi32> to vector<16xi32>
      %swap3A_57 = vector.shape_cast %add3A_53 : vector<16xi32> to vector<16xi32>
      tpu.vector_store %arg9[%swap3A_54], %swap3A_57 {strides = array<i32>} : memref<80xi32, #tpu.memory_space<vmem>>, vector<16xi32>,
      %add3A_58 = arith.constant 32 : i32
      %add3A_59 = arith.addi %mul3A_42, %add3A_58 : i32
      %add3A_60 = vector.broadcast %add3A_59 : i32 to vector<16xi32>
      %add3A_61 = arith.addi %add3A_60, %iota3A : vector<16xi32>
      %swap3A_62 = arith.constant 32 : index
      %swap3A_63 = tpu.vector_load %arg9[%swap3A_62] {strides = array<i32>} : memref<80xi32, #tpu.memory_space<vmem>>, vector<16xi32>,
      %swap3A_64 = vector.shape_cast %swap3A_63 : vector<16xi32> to vector<16xi32>
      %swap3A_65 = vector.shape_cast %add3A_61 : vector<16xi32> to vector<16xi32>
      tpu.vector_store %arg9[%swap3A_62], %swap3A_65 {strides = array<i32>} : memref<80xi32, #tpu.memory_space<vmem>>, vector<16xi32>,
      %add3A_66 = arith.constant 48 : i32
      %add3A_67 = arith.addi %mul3A_42, %add3A_66 : i32
      %add3A_68 = vector.broadcast %add3A_67 : i32 to vector<16xi32>
      %add3A_69 = arith.addi %add3A_68, %iota3A : vector<16xi32>
      %swap3A_70 = arith.constant 48 : index
      %swap3A_71 = tpu.vector_load %arg9[%swap3A_70] {strides = array<i32>} : memref<80xi32, #tpu.memory_space<vmem>>, vector<16xi32>,
      %swap3A_72 = vector.shape_cast %swap3A_71 : vector<16xi32> to vector<16xi32>
      %swap3A_73 = vector.shape_cast %add3A_69 : vector<16xi32> to vector<16xi32>
      tpu.vector_store %arg9[%swap3A_70], %swap3A_73 {strides = array<i32>} : memref<80xi32, #tpu.memory_space<vmem>>, vector<16xi32>,
      %add3A_74 = arith.constant 64 : i32
      %add3A_75 = arith.addi %mul3A_42, %add3A_74 : i32
      %add3A_76 = vector.broadcast %add3A_75 : i32 to vector<16xi32>
      %add3A_77 = arith.addi %add3A_76, %iota3A : vector<16xi32>
      %swap3A_78 = arith.constant 64 : index
      %swap3A_79 = tpu.vector_load %arg9[%swap3A_78] {strides = array<i32>} : memref<80xi32, #tpu.memory_space<vmem>>, vector<16xi32>,
      %swap3A_80 = vector.shape_cast %swap3A_79 : vector<16xi32> to vector<16xi32>
      %swap3A_81 = vector.shape_cast %add3A_77 : vector<16xi32> to vector<16xi32>
      tpu.vector_store %arg9[%swap3A_78], %swap3A_81 {strides = array<i32>} : memref<80xi32, #tpu.memory_space<vmem>>, vector<16xi32>,
      "tpu.region"() ({
        %run_scoped3A = tpu.sem_alloc : memref<!tpu.dma_semaphore, #tpu.memory_space<semaphore_mem>>
        %dma_start3A = arith.constant 0 : i32
        %dma_start3A_82 = arith.constant 0 : i32
        %dma_start3A_83 = tpu.memref_slice %arg8[%dma_start3A, %dma_start3A_82] : memref<10000x128xf32, #tpu.memory_space<vmem_shared>> -> memref<10000x128xf32, #tpu.memory_space<vmem_shared>>
        tpu.enqueue_indirect_dma source(%arg10 : memref<80x128xf32, #tpu.memory_space<vmem>>) target(%dma_start3A_83 : memref<10000x128xf32, #tpu.memory_space<vmem_shared>>) offsets(%arg9 : memref<80xi32, #tpu.memory_space<vmem>>) semaphore(%run_scoped3A : memref<!tpu.dma_semaphore, #tpu.memory_space<semaphore_mem>>)
        %dma_wait3A = arith.constant 0 : i32
        %dma_wait3A_84 = arith.constant 0 : i32
        %dma_wait3A_85 = tpu.memref_slice %arg8[%dma_wait3A, %dma_wait3A_84] : memref<10000x128xf32, #tpu.memory_space<vmem_shared>> -> memref<10000x128xf32, #tpu.memory_space<vmem_shared>>
        tpu.wait_indirect_dma semaphore(%run_scoped3A : memref<!tpu.dma_semaphore, #tpu.memory_space<semaphore_mem>>) src(%arg10 : memref<80x128xf32, #tpu.memory_space<vmem>>) dst(%dma_wait3A_85 : memref<10000x128xf32, #tpu.memory_space<vmem_shared>>)
        tpu.yield
      }) : () -> ()
    }
    %scan3A_6 = arith.constant 8 : i32
    %barrier3A = arith.constant 0 : index
    tpu.barrier barrier_id(%barrier3A)
    %scan3A_7 = arith.constant 0 : i32
    %scan3A_8 = arith.constant 125 : i32
    %scan3A_9 = arith.addi %scan3A_7, %scan3A_8 : i32
    %scan3A_10 = arith.constant 1 : i32
    scf.for %scan3A_36 = %scan3A_7 to %scan3A_9 step %scan3A_10  : i32 {
      %mul3A_37 = arith.constant 80 : i32
      %mul3A_38 = arith.muli %scan3A_36, %mul3A_37 : i32
      %add3A_39 = arith.addi %mul3A_2, %mul3A_38 : i32
      %dma_start3A = tpu.memref_slice %arg4[%add3A_39] : memref<320000xi32, #tpu.memory_space<hbm>> -> memref<80xi32, #tpu.memory_space<hbm>>
      %dma_start3A_40 = tpu.memref_slice %arg4[%add3A_39] : memref<320000xi32, #tpu.memory_space<hbm>> -> memref<80xi32, #tpu.memory_space<hbm>>
      tpu.enqueue_dma source(%dma_start3A_40 : memref<80xi32, #tpu.memory_space<hbm>>) target(%arg9 : memref<80xi32, #tpu.memory_space<vmem>>) target_semaphore(%arg11 : memref<!tpu.dma_semaphore, #tpu.memory_space<semaphore_mem>>)
      %dma_start3A_41 = arith.constant 0 : i32
      %dma_start3A_42 = tpu.memref_slice %arg2[%add3A_39, %dma_start3A_41] : memref<320000x128xf32, #tpu.memory_space<hbm>> -> memref<80x128xf32, #tpu.memory_space<hbm>>
      %dma_start3A_43 = arith.constant 0 : i32
      %dma_start3A_44 = tpu.memref_slice %arg2[%add3A_39, %dma_start3A_43] : memref<320000x128xf32, #tpu.memory_space<hbm>> -> memref<80x128xf32, #tpu.memory_space<hbm>>
      tpu.enqueue_dma source(%dma_start3A_44 : memref<80x128xf32, #tpu.memory_space<hbm>>) target(%arg10 : memref<80x128xf32, #tpu.memory_space<vmem>>) target_semaphore(%arg12 : memref<!tpu.dma_semaphore, #tpu.memory_space<semaphore_mem>>)
      %dma_wait3A = tpu.memref_slice %arg4[%add3A_39] : memref<320000xi32, #tpu.memory_space<hbm>> -> memref<80xi32, #tpu.memory_space<hbm>>
      %dma_wait3A_45 = tpu.memref_slice %arg4[%add3A_39] : memref<320000xi32, #tpu.memory_space<hbm>> -> memref<80xi32, #tpu.memory_space<hbm>>
      tpu.wait_dma2 semaphore(%arg11 : memref<!tpu.dma_semaphore, #tpu.memory_space<semaphore_mem>>) src(%dma_wait3A_45 : memref<80xi32, #tpu.memory_space<hbm>>) dst(%arg9 : memref<80xi32, #tpu.memory_space<vmem>>)
      %dma_wait3A_46 = arith.constant 0 : i32
      %dma_wait3A_47 = tpu.memref_slice %arg2[%add3A_39, %dma_wait3A_46] : memref<320000x128xf32, #tpu.memory_space<hbm>> -> memref<80x128xf32, #tpu.memory_space<hbm>>
      %dma_wait3A_48 = arith.constant 0 : i32
      %dma_wait3A_49 = tpu.memref_slice %arg2[%add3A_39, %dma_wait3A_48] : memref<320000x128xf32, #tpu.memory_space<hbm>> -> memref<80x128xf32, #tpu.memory_space<hbm>>
      tpu.wait_dma2 semaphore(%arg12 : memref<!tpu.dma_semaphore, #tpu.memory_space<semaphore_mem>>) src(%dma_wait3A_49 : memref<80x128xf32, #tpu.memory_space<hbm>>) dst(%arg10 : memref<80x128xf32, #tpu.memory_space<vmem>>)
      "tpu.region"() ({
        %run_scoped3A = tpu.sem_alloc : memref<!tpu.dma_semaphore, #tpu.memory_space<semaphore_mem>>
        %dma_start3A_50 = arith.constant 0 : i32
        %dma_start3A_51 = arith.constant 0 : i32
        %dma_start3A_52 = tpu.memref_slice %arg8[%dma_start3A_50, %dma_start3A_51] : memref<10000x128xf32, #tpu.memory_space<vmem_shared>> -> memref<10000x128xf32, #tpu.memory_space<vmem_shared>>
        tpu.enqueue_indirect_dma source(%arg10 : memref<80x128xf32, #tpu.memory_space<vmem>>) target(%dma_start3A_52 : memref<10000x128xf32, #tpu.memory_space<vmem_shared>>) offsets(%arg9 : memref<80xi32, #tpu.memory_space<vmem>>) semaphore(%run_scoped3A : memref<!tpu.dma_semaphore, #tpu.memory_space<semaphore_mem>>) {add = true}
        %dma_wait3A_53 = arith.constant 0 : i32
        %dma_wait3A_54 = arith.constant 0 : i32
        %dma_wait3A_55 = tpu.memref_slice %arg8[%dma_wait3A_53, %dma_wait3A_54] : memref<10000x128xf32, #tpu.memory_space<vmem_shared>> -> memref<10000x128xf32, #tpu.memory_space<vmem_shared>>
        tpu.wait_indirect_dma semaphore(%run_scoped3A : memref<!tpu.dma_semaphore, #tpu.memory_space<semaphore_mem>>) src(%arg10 : memref<80x128xf32, #tpu.memory_space<vmem>>) dst(%dma_wait3A_55 : memref<10000x128xf32, #tpu.memory_space<vmem_shared>>)
        tpu.yield
      }) : () -> ()
    }
    %scan3A_11 = arith.constant 125 : i32
    %barrier3A_12 = arith.constant 0 : index
    tpu.barrier barrier_id(%barrier3A_12)
    %scan3A_13 = arith.constant 0 : i32
    %scan3A_14 = arith.constant 8 : i32
    %scan3A_15 = arith.addi %scan3A_13, %scan3A_14 : i32
    %scan3A_16 = arith.constant 1 : i32
    scf.for %scan3A_36 = %scan3A_13 to %scan3A_15 step %scan3A_16  : i32 {
      %mul3A_37 = arith.constant 16 : i32
      %mul3A_38 = arith.muli %scan3A_36, %mul3A_37 : i32
      %add3A_39 = arith.addi %arg1, %mul3A_38 : i32
      %min3A = arith.constant 124 : i32
      %min3A_40 = arith.minsi %add3A_39, %min3A : i32
      %mul3A_41 = arith.constant 80 : i32
      %mul3A_42 = arith.muli %min3A_40, %mul3A_41 : i32
      %add3A_43 = arith.constant 0 : i32
      %add3A_44 = arith.addi %mul3A_42, %add3A_43 : i32
      %add3A_45 = vector.broadcast %add3A_44 : i32 to vector<16xi32>
      %add3A_46 = arith.addi %add3A_45, %iota3A : vector<16xi32>
      %swap3A = arith.constant 0 : index
      %swap3A_47 = tpu.vector_load %arg9[%swap3A] {strides = array<i32>} : memref<80xi32, #tpu.memory_space<vmem>>, vector<16xi32>,
      %swap3A_48 = vector.shape_cast %swap3A_47 : vector<16xi32> to vector<16xi32>
      %swap3A_49 = vector.shape_cast %add3A_46 : vector<16xi32> to vector<16xi32>
      tpu.vector_store %arg9[%swap3A], %swap3A_49 {strides = array<i32>} : memref<80xi32, #tpu.memory_space<vmem>>, vector<16xi32>,
      %add3A_50 = arith.constant 16 : i32
      %add3A_51 = arith.addi %mul3A_42, %add3A_50 : i32
      %add3A_52 = vector.broadcast %add3A_51 : i32 to vector<16xi32>
      %add3A_53 = arith.addi %add3A_52, %iota3A : vector<16xi32>
      %swap3A_54 = arith.constant 16 : index
      %swap3A_55 = tpu.vector_load %arg9[%swap3A_54] {strides = array<i32>} : memref<80xi32, #tpu.memory_space<vmem>>, vector<16xi32>,
      %swap3A_56 = vector.shape_cast %swap3A_55 : vector<16xi32> to vector<16xi32>
      %swap3A_57 = vector.shape_cast %add3A_53 : vector<16xi32> to vector<16xi32>
      tpu.vector_store %arg9[%swap3A_54], %swap3A_57 {strides = array<i32>} : memref<80xi32, #tpu.memory_space<vmem>>, vector<16xi32>,
      %add3A_58 = arith.constant 32 : i32
      %add3A_59 = arith.addi %mul3A_42, %add3A_58 : i32
      %add3A_60 = vector.broadcast %add3A_59 : i32 to vector<16xi32>
      %add3A_61 = arith.addi %add3A_60, %iota3A : vector<16xi32>
      %swap3A_62 = arith.constant 32 : index
      %swap3A_63 = tpu.vector_load %arg9[%swap3A_62] {strides = array<i32>} : memref<80xi32, #tpu.memory_space<vmem>>, vector<16xi32>,
      %swap3A_64 = vector.shape_cast %swap3A_63 : vector<16xi32> to vector<16xi32>
      %swap3A_65 = vector.shape_cast %add3A_61 : vector<16xi32> to vector<16xi32>
      tpu.vector_store %arg9[%swap3A_62], %swap3A_65 {strides = array<i32>} : memref<80xi32, #tpu.memory_space<vmem>>, vector<16xi32>,
      %add3A_66 = arith.constant 48 : i32
      %add3A_67 = arith.addi %mul3A_42, %add3A_66 : i32
      %add3A_68 = vector.broadcast %add3A_67 : i32 to vector<16xi32>
      %add3A_69 = arith.addi %add3A_68, %iota3A : vector<16xi32>
      %swap3A_70 = arith.constant 48 : index
      %swap3A_71 = tpu.vector_load %arg9[%swap3A_70] {strides = array<i32>} : memref<80xi32, #tpu.memory_space<vmem>>, vector<16xi32>,
      %swap3A_72 = vector.shape_cast %swap3A_71 : vector<16xi32> to vector<16xi32>
      %swap3A_73 = vector.shape_cast %add3A_69 : vector<16xi32> to vector<16xi32>
      tpu.vector_store %arg9[%swap3A_70], %swap3A_73 {strides = array<i32>} : memref<80xi32, #tpu.memory_space<vmem>>, vector<16xi32>,
      %add3A_74 = arith.constant 64 : i32
      %add3A_75 = arith.addi %mul3A_42, %add3A_74 : i32
      %add3A_76 = vector.broadcast %add3A_75 : i32 to vector<16xi32>
      %add3A_77 = arith.addi %add3A_76, %iota3A : vector<16xi32>
      %swap3A_78 = arith.constant 64 : index
      %swap3A_79 = tpu.vector_load %arg9[%swap3A_78] {strides = array<i32>} : memref<80xi32, #tpu.memory_space<vmem>>, vector<16xi32>,
      %swap3A_80 = vector.shape_cast %swap3A_79 : vector<16xi32> to vector<16xi32>
      %swap3A_81 = vector.shape_cast %add3A_77 : vector<16xi32> to vector<16xi32>
      tpu.vector_store %arg9[%swap3A_78], %swap3A_81 {strides = array<i32>} : memref<80xi32, #tpu.memory_space<vmem>>, vector<16xi32>,
      "tpu.region"() ({
        %run_scoped3A = tpu.sem_alloc : memref<!tpu.dma_semaphore, #tpu.memory_space<semaphore_mem>>
        %dma_start3A = arith.constant 0 : i32
        %dma_start3A_85 = arith.constant 0 : i32
        %dma_start3A_86 = tpu.memref_slice %arg8[%dma_start3A, %dma_start3A_85] : memref<10000x128xf32, #tpu.memory_space<vmem_shared>> -> memref<10000x128xf32, #tpu.memory_space<vmem_shared>>
        tpu.enqueue_indirect_dma source(%dma_start3A_86 : memref<10000x128xf32, #tpu.memory_space<vmem_shared>>) target(%arg10 : memref<80x128xf32, #tpu.memory_space<vmem>>) offsets(%arg9 : memref<80xi32, #tpu.memory_space<vmem>>) semaphore(%run_scoped3A : memref<!tpu.dma_semaphore, #tpu.memory_space<semaphore_mem>>)
        %dma_wait3A = arith.constant 0 : i32
        %dma_wait3A_87 = arith.constant 0 : i32
        %dma_wait3A_88 = tpu.memref_slice %arg8[%dma_wait3A, %dma_wait3A_87] : memref<10000x128xf32, #tpu.memory_space<vmem_shared>> -> memref<10000x128xf32, #tpu.memory_space<vmem_shared>>
        tpu.wait_indirect_dma semaphore(%run_scoped3A : memref<!tpu.dma_semaphore, #tpu.memory_space<semaphore_mem>>) src(%dma_wait3A_88 : memref<10000x128xf32, #tpu.memory_space<vmem_shared>>) dst(%arg10 : memref<80x128xf32, #tpu.memory_space<vmem>>)
        tpu.yield
      }) : () -> ()
      %mul3A_82 = arith.constant 10000 : i32
      %mul3A_83 = arith.muli %arg0, %mul3A_82 : i32
      %add3A_84 = arith.addi %mul3A_83, %mul3A_42 : i32
      "tpu.region"() ({
        %run_scoped3A = tpu.sem_alloc : memref<!tpu.dma_semaphore, #tpu.memory_space<semaphore_mem>>
        %dma_start3A = arith.constant 0 : i32
        %dma_start3A_85 = tpu.memref_slice %arg6[%add3A_84, %dma_start3A] : memref<20000x128xf32, #tpu.memory_space<hbm>> -> memref<80x128xf32, #tpu.memory_space<hbm>>
        %dma_start3A_86 = arith.constant 0 : i32
        %dma_start3A_87 = tpu.memref_slice %arg6[%add3A_84, %dma_start3A_86] : memref<20000x128xf32, #tpu.memory_space<hbm>> -> memref<80x128xf32, #tpu.memory_space<hbm>>
        tpu.enqueue_dma source(%arg10 : memref<80x128xf32, #tpu.memory_space<vmem>>) target(%dma_start3A_87 : memref<80x128xf32, #tpu.memory_space<hbm>>) target_semaphore(%run_scoped3A : memref<!tpu.dma_semaphore, #tpu.memory_space<semaphore_mem>>)
        %dma_wait3A = arith.constant 0 : i32
        %dma_wait3A_88 = tpu.memref_slice %arg6[%add3A_84, %dma_wait3A] : memref<20000x128xf32, #tpu.memory_space<hbm>> -> memref<80x128xf32, #tpu.memory_space<hbm>>
        %dma_wait3A_89 = arith.constant 0 : i32
        %dma_wait3A_90 = tpu.memref_slice %arg6[%add3A_84, %dma_wait3A_89] : memref<20000x128xf32, #tpu.memory_space<hbm>> -> memref<80x128xf32, #tpu.memory_space<hbm>>
        tpu.wait_dma2 semaphore(%run_scoped3A : memref<!tpu.dma_semaphore, #tpu.memory_space<semaphore_mem>>) src(%arg10 : memref<80x128xf32, #tpu.memory_space<vmem>>) dst(%dma_wait3A_90 : memref<80x128xf32, #tpu.memory_space<hbm>>)
        tpu.yield
      }) : () -> ()
    }
    %scan3A_17 = arith.constant 8 : i32
    %barrier3A_18 = arith.constant 0 : index
    tpu.barrier barrier_id(%barrier3A_18)
    "tpu.region"() ({
      %run_scoped3A = tpu.sem_alloc : memref<!tpu.dma_semaphore, #tpu.memory_space<semaphore_mem>>
      %dma_start3A = arith.constant 0 : i32
      %dma_start3A_36 = arith.constant 0 : i32
      %dma_start3A_37 = tpu.memref_slice %arg5[%dma_start3A, %dma_start3A_36] : memref<80x128xf32, #tpu.memory_space<hbm>> -> memref<80x128xf32, #tpu.memory_space<hbm>>
      %dma_start3A_38 = arith.constant 0 : i32
      %dma_start3A_39 = arith.constant 0 : i32
      %dma_start3A_40 = tpu.memref_slice %arg5[%dma_start3A_38, %dma_start3A_39] : memref<80x128xf32, #tpu.memory_space<hbm>> -> memref<80x128xf32, #tpu.memory_space<hbm>>
      tpu.enqueue_dma source(%dma_start3A_40 : memref<80x128xf32, #tpu.memory_space<hbm>>) target(%arg10 : memref<80x128xf32, #tpu.memory_space<vmem>>) target_semaphore(%run_scoped3A : memref<!tpu.dma_semaphore, #tpu.memory_space<semaphore_mem>>)
      %dma_wait3A = arith.constant 0 : i32
      %dma_wait3A_41 = arith.constant 0 : i32
      %dma_wait3A_42 = tpu.memref_slice %arg5[%dma_wait3A, %dma_wait3A_41] : memref<80x128xf32, #tpu.memory_space<hbm>> -> memref<80x128xf32, #tpu.memory_space<hbm>>
      %dma_wait3A_43 = arith.constant 0 : i32
      %dma_wait3A_44 = arith.constant 0 : i32
      %dma_wait3A_45 = tpu.memref_slice %arg5[%dma_wait3A_43, %dma_wait3A_44] : memref<80x128xf32, #tpu.memory_space<hbm>> -> memref<80x128xf32, #tpu.memory_space<hbm>>
      tpu.wait_dma2 semaphore(%run_scoped3A : memref<!tpu.dma_semaphore, #tpu.memory_space<semaphore_mem>>) src(%dma_wait3A_45 : memref<80x128xf32, #tpu.memory_space<hbm>>) dst(%arg10 : memref<80x128xf32, #tpu.memory_space<vmem>>)
      tpu.yield
    }) : () -> ()
    %scan3A_19 = arith.constant 0 : i32
    %scan3A_20 = arith.constant 8 : i32
    %scan3A_21 = arith.addi %scan3A_19, %scan3A_20 : i32
    %scan3A_22 = arith.constant 1 : i32
    scf.for %scan3A_36 = %scan3A_19 to %scan3A_21 step %scan3A_22  : i32 {
      %mul3A_37 = arith.constant 16 : i32
      %mul3A_38 = arith.muli %scan3A_36, %mul3A_37 : i32
      %add3A_39 = arith.addi %arg1, %mul3A_38 : i32
      %min3A = arith.constant 124 : i32
      %min3A_40 = arith.minsi %add3A_39, %min3A : i32
      %mul3A_41 = arith.constant 80 : i32
      %mul3A_42 = arith.muli %min3A_40, %mul3A_41 : i32
      %add3A_43 = arith.constant 0 : i32
      %add3A_44 = arith.addi %mul3A_42, %add3A_43 : i32
      %add3A_45 = vector.broadcast %add3A_44 : i32 to vector<16xi32>
      %add3A_46 = arith.addi %add3A_45, %iota3A : vector<16xi32>
      %swap3A = arith.constant 0 : index
      %swap3A_47 = tpu.vector_load %arg9[%swap3A] {strides = array<i32>} : memref<80xi32, #tpu.memory_space<vmem>>, vector<16xi32>,
      %swap3A_48 = vector.shape_cast %swap3A_47 : vector<16xi32> to vector<16xi32>
      %swap3A_49 = vector.shape_cast %add3A_46 : vector<16xi32> to vector<16xi32>
      tpu.vector_store %arg9[%swap3A], %swap3A_49 {strides = array<i32>} : memref<80xi32, #tpu.memory_space<vmem>>, vector<16xi32>,
      %add3A_50 = arith.constant 16 : i32
      %add3A_51 = arith.addi %mul3A_42, %add3A_50 : i32
      %add3A_52 = vector.broadcast %add3A_51 : i32 to vector<16xi32>
      %add3A_53 = arith.addi %add3A_52, %iota3A : vector<16xi32>
      %swap3A_54 = arith.constant 16 : index
      %swap3A_55 = tpu.vector_load %arg9[%swap3A_54] {strides = array<i32>} : memref<80xi32, #tpu.memory_space<vmem>>, vector<16xi32>,
      %swap3A_56 = vector.shape_cast %swap3A_55 : vector<16xi32> to vector<16xi32>
      %swap3A_57 = vector.shape_cast %add3A_53 : vector<16xi32> to vector<16xi32>
      tpu.vector_store %arg9[%swap3A_54], %swap3A_57 {strides = array<i32>} : memref<80xi32, #tpu.memory_space<vmem>>, vector<16xi32>,
      %add3A_58 = arith.constant 32 : i32
      %add3A_59 = arith.addi %mul3A_42, %add3A_58 : i32
      %add3A_60 = vector.broadcast %add3A_59 : i32 to vector<16xi32>
      %add3A_61 = arith.addi %add3A_60, %iota3A : vector<16xi32>
      %swap3A_62 = arith.constant 32 : index
      %swap3A_63 = tpu.vector_load %arg9[%swap3A_62] {strides = array<i32>} : memref<80xi32, #tpu.memory_space<vmem>>, vector<16xi32>,
      %swap3A_64 = vector.shape_cast %swap3A_63 : vector<16xi32> to vector<16xi32>
      %swap3A_65 = vector.shape_cast %add3A_61 : vector<16xi32> to vector<16xi32>
      tpu.vector_store %arg9[%swap3A_62], %swap3A_65 {strides = array<i32>} : memref<80xi32, #tpu.memory_space<vmem>>, vector<16xi32>,
      %add3A_66 = arith.constant 48 : i32
      %add3A_67 = arith.addi %mul3A_42, %add3A_66 : i32
      %add3A_68 = vector.broadcast %add3A_67 : i32 to vector<16xi32>
      %add3A_69 = arith.addi %add3A_68, %iota3A : vector<16xi32>
      %swap3A_70 = arith.constant 48 : index
      %swap3A_71 = tpu.vector_load %arg9[%swap3A_70] {strides = array<i32>} : memref<80xi32, #tpu.memory_space<vmem>>, vector<16xi32>,
      %swap3A_72 = vector.shape_cast %swap3A_71 : vector<16xi32> to vector<16xi32>
      %swap3A_73 = vector.shape_cast %add3A_69 : vector<16xi32> to vector<16xi32>
      tpu.vector_store %arg9[%swap3A_70], %swap3A_73 {strides = array<i32>} : memref<80xi32, #tpu.memory_space<vmem>>, vector<16xi32>,
      %add3A_74 = arith.constant 64 : i32
      %add3A_75 = arith.addi %mul3A_42, %add3A_74 : i32
      %add3A_76 = vector.broadcast %add3A_75 : i32 to vector<16xi32>
      %add3A_77 = arith.addi %add3A_76, %iota3A : vector<16xi32>
      %swap3A_78 = arith.constant 64 : index
      %swap3A_79 = tpu.vector_load %arg9[%swap3A_78] {strides = array<i32>} : memref<80xi32, #tpu.memory_space<vmem>>, vector<16xi32>,
      %swap3A_80 = vector.shape_cast %swap3A_79 : vector<16xi32> to vector<16xi32>
      %swap3A_81 = vector.shape_cast %add3A_77 : vector<16xi32> to vector<16xi32>
      tpu.vector_store %arg9[%swap3A_78], %swap3A_81 {strides = array<i32>} : memref<80xi32, #tpu.memory_space<vmem>>, vector<16xi32>,
      "tpu.region"() ({
        %run_scoped3A = tpu.sem_alloc : memref<!tpu.dma_semaphore, #tpu.memory_space<semaphore_mem>>
        %dma_start3A = arith.constant 0 : i32
        %dma_start3A_82 = arith.constant 0 : i32
        %dma_start3A_83 = tpu.memref_slice %arg8[%dma_start3A, %dma_start3A_82] : memref<10000x128xf32, #tpu.memory_space<vmem_shared>> -> memref<10000x128xf32, #tpu.memory_space<vmem_shared>>
        tpu.enqueue_indirect_dma source(%arg10 : memref<80x128xf32, #tpu.memory_space<vmem>>) target(%dma_start3A_83 : memref<10000x128xf32, #tpu.memory_space<vmem_shared>>) offsets(%arg9 : memref<80xi32, #tpu.memory_space<vmem>>) semaphore(%run_scoped3A : memref<!tpu.dma_semaphore, #tpu.memory_space<semaphore_mem>>)
        %dma_wait3A = arith.constant 0 : i32
        %dma_wait3A_84 = arith.constant 0 : i32
        %dma_wait3A_85 = tpu.memref_slice %arg8[%dma_wait3A, %dma_wait3A_84] : memref<10000x128xf32, #tpu.memory_space<vmem_shared>> -> memref<10000x128xf32, #tpu.memory_space<vmem_shared>>
        tpu.wait_indirect_dma semaphore(%run_scoped3A : memref<!tpu.dma_semaphore, #tpu.memory_space<semaphore_mem>>) src(%arg10 : memref<80x128xf32, #tpu.memory_space<vmem>>) dst(%dma_wait3A_85 : memref<10000x128xf32, #tpu.memory_space<vmem_shared>>)
        tpu.yield
      }) : () -> ()
    }
    %scan3A_23 = arith.constant 8 : i32
    %barrier3A_24 = arith.constant 0 : index
    tpu.barrier barrier_id(%barrier3A_24)
    %scan3A_25 = arith.constant 0 : i32
    %scan3A_26 = arith.constant 125 : i32
    %scan3A_27 = arith.addi %scan3A_25, %scan3A_26 : i32
    %scan3A_28 = arith.constant 1 : i32
    scf.for %scan3A_36 = %scan3A_25 to %scan3A_27 step %scan3A_28  : i32 {
      %mul3A_37 = arith.constant 80 : i32
      %mul3A_38 = arith.muli %scan3A_36, %mul3A_37 : i32
      %add3A_39 = arith.addi %mul3A_2, %mul3A_38 : i32
      %dma_start3A = tpu.memref_slice %arg4[%add3A_39] : memref<320000xi32, #tpu.memory_space<hbm>> -> memref<80xi32, #tpu.memory_space<hbm>>
      %dma_start3A_40 = tpu.memref_slice %arg4[%add3A_39] : memref<320000xi32, #tpu.memory_space<hbm>> -> memref<80xi32, #tpu.memory_space<hbm>>
      tpu.enqueue_dma source(%dma_start3A_40 : memref<80xi32, #tpu.memory_space<hbm>>) target(%arg9 : memref<80xi32, #tpu.memory_space<vmem>>) target_semaphore(%arg11 : memref<!tpu.dma_semaphore, #tpu.memory_space<semaphore_mem>>)
      %dma_start3A_41 = arith.constant 0 : i32
      %dma_start3A_42 = tpu.memref_slice %arg3[%add3A_39, %dma_start3A_41] : memref<320000x128xf32, #tpu.memory_space<hbm>> -> memref<80x128xf32, #tpu.memory_space<hbm>>
      %dma_start3A_43 = arith.constant 0 : i32
      %dma_start3A_44 = tpu.memref_slice %arg3[%add3A_39, %dma_start3A_43] : memref<320000x128xf32, #tpu.memory_space<hbm>> -> memref<80x128xf32, #tpu.memory_space<hbm>>
      tpu.enqueue_dma source(%dma_start3A_44 : memref<80x128xf32, #tpu.memory_space<hbm>>) target(%arg10 : memref<80x128xf32, #tpu.memory_space<vmem>>) target_semaphore(%arg12 : memref<!tpu.dma_semaphore, #tpu.memory_space<semaphore_mem>>)
      %dma_wait3A = tpu.memref_slice %arg4[%add3A_39] : memref<320000xi32, #tpu.memory_space<hbm>> -> memref<80xi32, #tpu.memory_space<hbm>>
      %dma_wait3A_45 = tpu.memref_slice %arg4[%add3A_39] : memref<320000xi32, #tpu.memory_space<hbm>> -> memref<80xi32, #tpu.memory_space<hbm>>
      tpu.wait_dma2 semaphore(%arg11 : memref<!tpu.dma_semaphore, #tpu.memory_space<semaphore_mem>>) src(%dma_wait3A_45 : memref<80xi32, #tpu.memory_space<hbm>>) dst(%arg9 : memref<80xi32, #tpu.memory_space<vmem>>)
      %dma_wait3A_46 = arith.constant 0 : i32
      %dma_wait3A_47 = tpu.memref_slice %arg3[%add3A_39, %dma_wait3A_46] : memref<320000x128xf32, #tpu.memory_space<hbm>> -> memref<80x128xf32, #tpu.memory_space<hbm>>
      %dma_wait3A_48 = arith.constant 0 : i32
      %dma_wait3A_49 = tpu.memref_slice %arg3[%add3A_39, %dma_wait3A_48] : memref<320000x128xf32, #tpu.memory_space<hbm>> -> memref<80x128xf32, #tpu.memory_space<hbm>>
      tpu.wait_dma2 semaphore(%arg12 : memref<!tpu.dma_semaphore, #tpu.memory_space<semaphore_mem>>) src(%dma_wait3A_49 : memref<80x128xf32, #tpu.memory_space<hbm>>) dst(%arg10 : memref<80x128xf32, #tpu.memory_space<vmem>>)
      "tpu.region"() ({
        %run_scoped3A = tpu.sem_alloc : memref<!tpu.dma_semaphore, #tpu.memory_space<semaphore_mem>>
        %dma_start3A_50 = arith.constant 0 : i32
        %dma_start3A_51 = arith.constant 0 : i32
        %dma_start3A_52 = tpu.memref_slice %arg8[%dma_start3A_50, %dma_start3A_51] : memref<10000x128xf32, #tpu.memory_space<vmem_shared>> -> memref<10000x128xf32, #tpu.memory_space<vmem_shared>>
        tpu.enqueue_indirect_dma source(%arg10 : memref<80x128xf32, #tpu.memory_space<vmem>>) target(%dma_start3A_52 : memref<10000x128xf32, #tpu.memory_space<vmem_shared>>) offsets(%arg9 : memref<80xi32, #tpu.memory_space<vmem>>) semaphore(%run_scoped3A : memref<!tpu.dma_semaphore, #tpu.memory_space<semaphore_mem>>) {add = true}
        %dma_wait3A_53 = arith.constant 0 : i32
        %dma_wait3A_54 = arith.constant 0 : i32
        %dma_wait3A_55 = tpu.memref_slice %arg8[%dma_wait3A_53, %dma_wait3A_54] : memref<10000x128xf32, #tpu.memory_space<vmem_shared>> -> memref<10000x128xf32, #tpu.memory_space<vmem_shared>>
        tpu.wait_indirect_dma semaphore(%run_scoped3A : memref<!tpu.dma_semaphore, #tpu.memory_space<semaphore_mem>>) src(%arg10 : memref<80x128xf32, #tpu.memory_space<vmem>>) dst(%dma_wait3A_55 : memref<10000x128xf32, #tpu.memory_space<vmem_shared>>)
        tpu.yield
      }) : () -> ()
    }
    %scan3A_29 = arith.constant 125 : i32
    %barrier3A_30 = arith.constant 0 : index
    tpu.barrier barrier_id(%barrier3A_30)
    %scan3A_31 = arith.constant 0 : i32
    %scan3A_32 = arith.constant 8 : i32
    %scan3A_33 = arith.addi %scan3A_31, %scan3A_32 : i32
    %scan3A_34 = arith.constant 1 : i32
    scf.for %scan3A_36 = %scan3A_31 to %scan3A_33 step %scan3A_34  : i32 {
      %mul3A_37 = arith.constant 16 : i32
      %mul3A_38 = arith.muli %scan3A_36, %mul3A_37 : i32
      %add3A_39 = arith.addi %arg1, %mul3A_38 : i32
      %min3A = arith.constant 124 : i32
      %min3A_40 = arith.minsi %add3A_39, %min3A : i32
      %mul3A_41 = arith.constant 80 : i32
      %mul3A_42 = arith.muli %min3A_40, %mul3A_41 : i32
      %add3A_43 = arith.constant 0 : i32
      %add3A_44 = arith.addi %mul3A_42, %add3A_43 : i32
      %add3A_45 = vector.broadcast %add3A_44 : i32 to vector<16xi32>
      %add3A_46 = arith.addi %add3A_45, %iota3A : vector<16xi32>
      %swap3A = arith.constant 0 : index
      %swap3A_47 = tpu.vector_load %arg9[%swap3A] {strides = array<i32>} : memref<80xi32, #tpu.memory_space<vmem>>, vector<16xi32>,
      %swap3A_48 = vector.shape_cast %swap3A_47 : vector<16xi32> to vector<16xi32>
      %swap3A_49 = vector.shape_cast %add3A_46 : vector<16xi32> to vector<16xi32>
      tpu.vector_store %arg9[%swap3A], %swap3A_49 {strides = array<i32>} : memref<80xi32, #tpu.memory_space<vmem>>, vector<16xi32>,
      %add3A_50 = arith.constant 16 : i32
      %add3A_51 = arith.addi %mul3A_42, %add3A_50 : i32
      %add3A_52 = vector.broadcast %add3A_51 : i32 to vector<16xi32>
      %add3A_53 = arith.addi %add3A_52, %iota3A : vector<16xi32>
      %swap3A_54 = arith.constant 16 : index
      %swap3A_55 = tpu.vector_load %arg9[%swap3A_54] {strides = array<i32>} : memref<80xi32, #tpu.memory_space<vmem>>, vector<16xi32>,
      %swap3A_56 = vector.shape_cast %swap3A_55 : vector<16xi32> to vector<16xi32>
      %swap3A_57 = vector.shape_cast %add3A_53 : vector<16xi32> to vector<16xi32>
      tpu.vector_store %arg9[%swap3A_54], %swap3A_57 {strides = array<i32>} : memref<80xi32, #tpu.memory_space<vmem>>, vector<16xi32>,
      %add3A_58 = arith.constant 32 : i32
      %add3A_59 = arith.addi %mul3A_42, %add3A_58 : i32
      %add3A_60 = vector.broadcast %add3A_59 : i32 to vector<16xi32>
      %add3A_61 = arith.addi %add3A_60, %iota3A : vector<16xi32>
      %swap3A_62 = arith.constant 32 : index
      %swap3A_63 = tpu.vector_load %arg9[%swap3A_62] {strides = array<i32>} : memref<80xi32, #tpu.memory_space<vmem>>, vector<16xi32>,
      %swap3A_64 = vector.shape_cast %swap3A_63 : vector<16xi32> to vector<16xi32>
      %swap3A_65 = vector.shape_cast %add3A_61 : vector<16xi32> to vector<16xi32>
      tpu.vector_store %arg9[%swap3A_62], %swap3A_65 {strides = array<i32>} : memref<80xi32, #tpu.memory_space<vmem>>, vector<16xi32>,
      %add3A_66 = arith.constant 48 : i32
      %add3A_67 = arith.addi %mul3A_42, %add3A_66 : i32
      %add3A_68 = vector.broadcast %add3A_67 : i32 to vector<16xi32>
      %add3A_69 = arith.addi %add3A_68, %iota3A : vector<16xi32>
      %swap3A_70 = arith.constant 48 : index
      %swap3A_71 = tpu.vector_load %arg9[%swap3A_70] {strides = array<i32>} : memref<80xi32, #tpu.memory_space<vmem>>, vector<16xi32>,
      %swap3A_72 = vector.shape_cast %swap3A_71 : vector<16xi32> to vector<16xi32>
      %swap3A_73 = vector.shape_cast %add3A_69 : vector<16xi32> to vector<16xi32>
      tpu.vector_store %arg9[%swap3A_70], %swap3A_73 {strides = array<i32>} : memref<80xi32, #tpu.memory_space<vmem>>, vector<16xi32>,
      %add3A_74 = arith.constant 64 : i32
      %add3A_75 = arith.addi %mul3A_42, %add3A_74 : i32
      %add3A_76 = vector.broadcast %add3A_75 : i32 to vector<16xi32>
      %add3A_77 = arith.addi %add3A_76, %iota3A : vector<16xi32>
      %swap3A_78 = arith.constant 64 : index
      %swap3A_79 = tpu.vector_load %arg9[%swap3A_78] {strides = array<i32>} : memref<80xi32, #tpu.memory_space<vmem>>, vector<16xi32>,
      %swap3A_80 = vector.shape_cast %swap3A_79 : vector<16xi32> to vector<16xi32>
      %swap3A_81 = vector.shape_cast %add3A_77 : vector<16xi32> to vector<16xi32>
      tpu.vector_store %arg9[%swap3A_78], %swap3A_81 {strides = array<i32>} : memref<80xi32, #tpu.memory_space<vmem>>, vector<16xi32>,
      "tpu.region"() ({
        %run_scoped3A = tpu.sem_alloc : memref<!tpu.dma_semaphore, #tpu.memory_space<semaphore_mem>>
        %dma_start3A = arith.constant 0 : i32
        %dma_start3A_85 = arith.constant 0 : i32
        %dma_start3A_86 = tpu.memref_slice %arg8[%dma_start3A, %dma_start3A_85] : memref<10000x128xf32, #tpu.memory_space<vmem_shared>> -> memref<10000x128xf32, #tpu.memory_space<vmem_shared>>
        tpu.enqueue_indirect_dma source(%dma_start3A_86 : memref<10000x128xf32, #tpu.memory_space<vmem_shared>>) target(%arg10 : memref<80x128xf32, #tpu.memory_space<vmem>>) offsets(%arg9 : memref<80xi32, #tpu.memory_space<vmem>>) semaphore(%run_scoped3A : memref<!tpu.dma_semaphore, #tpu.memory_space<semaphore_mem>>)
        %dma_wait3A = arith.constant 0 : i32
        %dma_wait3A_87 = arith.constant 0 : i32
        %dma_wait3A_88 = tpu.memref_slice %arg8[%dma_wait3A, %dma_wait3A_87] : memref<10000x128xf32, #tpu.memory_space<vmem_shared>> -> memref<10000x128xf32, #tpu.memory_space<vmem_shared>>
        tpu.wait_indirect_dma semaphore(%run_scoped3A : memref<!tpu.dma_semaphore, #tpu.memory_space<semaphore_mem>>) src(%dma_wait3A_88 : memref<10000x128xf32, #tpu.memory_space<vmem_shared>>) dst(%arg10 : memref<80x128xf32, #tpu.memory_space<vmem>>)
        tpu.yield
      }) : () -> ()
      %mul3A_82 = arith.constant 10000 : i32
      %mul3A_83 = arith.muli %arg0, %mul3A_82 : i32
      %add3A_84 = arith.addi %mul3A_83, %mul3A_42 : i32
      "tpu.region"() ({
        %run_scoped3A = tpu.sem_alloc : memref<!tpu.dma_semaphore, #tpu.memory_space<semaphore_mem>>
        %dma_start3A = arith.constant 0 : i32
        %dma_start3A_85 = tpu.memref_slice %arg7[%add3A_84, %dma_start3A] : memref<20000x128xf32, #tpu.memory_space<hbm>> -> memref<80x128xf32, #tpu.memory_space<hbm>>
        %dma_start3A_86 = arith.constant 0 : i32
        %dma_start3A_87 = tpu.memref_slice %arg7[%add3A_84, %dma_start3A_86] : memref<20000x128xf32, #tpu.memory_space<hbm>> -> memref<80x128xf32, #tpu.memory_space<hbm>>
        tpu.enqueue_dma source(%arg10 : memref<80x128xf32, #tpu.memory_space<vmem>>) target(%dma_start3A_87 : memref<80x128xf32, #tpu.memory_space<hbm>>) target_semaphore(%run_scoped3A : memref<!tpu.dma_semaphore, #tpu.memory_space<semaphore_mem>>)
        %dma_wait3A = arith.constant 0 : i32
        %dma_wait3A_88 = tpu.memref_slice %arg7[%add3A_84, %dma_wait3A] : memref<20000x128xf32, #tpu.memory_space<hbm>> -> memref<80x128xf32, #tpu.memory_space<hbm>>
        %dma_wait3A_89 = arith.constant 0 : i32
        %dma_wait3A_90 = tpu.memref_slice %arg7[%add3A_84, %dma_wait3A_89] : memref<20000x128xf32, #tpu.memory_space<hbm>> -> memref<80x128xf32, #tpu.memory_space<hbm>>
        tpu.wait_dma2 semaphore(%run_scoped3A : memref<!tpu.dma_semaphore, #tpu.memory_space<semaphore_mem>>) src(%arg10 : memref<80x128xf32, #tpu.memory_space<vmem>>) dst(%dma_wait3A_90 : memref<80x128xf32, #tpu.memory_space<hbm>>)
        tpu.yield
      }) : () -> ()
    }
    %scan3A_35 = arith.constant 8 : i32
    return
  }
}

#map = affine_map<(d0, d1) -> (0, 0)>
#map1 = affine_map<(d0, d1) -> (0)>
module attributes {stable_mosaic.version = 14 : i64} {
  func.func @_sc_gather_body(%arg0: i32, %arg1: i32, %arg2: memref<10000x128xf32, #tpu.memory_space<hbm>>, %arg3: memref<10000x128xf32, #tpu.memory_space<hbm>>, %arg4: memref<320000xi32, #tpu.memory_space<hbm>>, %arg5: memref<320000xi32, #tpu.memory_space<hbm>>, %arg6: memref<320000x128xf32, #tpu.memory_space<hbm>>, %arg7: memref<320000x128xf32, #tpu.memory_space<hbm>>, %arg8: memref<80xi32, #tpu.memory_space<vmem>>, %arg9: memref<80xi32, #tpu.memory_space<vmem>>, %arg10: memref<80x128xf32, #tpu.memory_space<vmem>>, %arg11: memref<80x128xf32, #tpu.memory_space<vmem>>, %arg12: memref<!tpu.dma_semaphore, #tpu.memory_space<semaphore_mem>>, %arg13: memref<!tpu.dma_semaphore, #tpu.memory_space<semaphore_mem>>) attributes {dimension_semantics = [#tpu.dimension_semantics<core_parallel>, #tpu.dimension_semantics<subcore_parallel>], iteration_bounds = array<i64: 2, 16>, scalar_prefetch = 0 : i64, scratch_operands = 6 : i64, tpu.core_type = #tpu.core_type<sc_vector_subcore>, window_params = [{transform_indices = #map}, {transform_indices = #map}, {transform_indices = #map1}, {transform_indices = #map1}, {transform_indices = #map}, {transform_indices = #map}]} {
    %mul3A = arith.constant 2 : i32
    %mul3A_0 = arith.muli %arg1, %mul3A : i32
    %add3A = arith.addi %mul3A_0, %arg0 : i32
    %mul3A_1 = arith.constant 10000 : i32
    %mul3A_2 = arith.muli %add3A, %mul3A_1 : i32
    %scan3A = arith.constant 0 : i32
    %scan3A_3 = arith.constant 125 : i32
    %scan3A_4 = arith.addi %scan3A, %scan3A_3 : i32
    %scan3A_5 = arith.constant 1 : i32
    scf.for %scan3A_7 = %scan3A to %scan3A_4 step %scan3A_5  : i32 {
      %mul3A_8 = arith.constant 80 : i32
      %mul3A_9 = arith.muli %scan3A_7, %mul3A_8 : i32
      %add3A_10 = arith.addi %mul3A_2, %mul3A_9 : i32
      %dma_start3A = tpu.memref_slice %arg4[%add3A_10] : memref<320000xi32, #tpu.memory_space<hbm>> -> memref<80xi32, #tpu.memory_space<hbm>>
      %dma_start3A_11 = tpu.memref_slice %arg4[%add3A_10] : memref<320000xi32, #tpu.memory_space<hbm>> -> memref<80xi32, #tpu.memory_space<hbm>>
      tpu.enqueue_dma source(%dma_start3A_11 : memref<80xi32, #tpu.memory_space<hbm>>) target(%arg8 : memref<80xi32, #tpu.memory_space<vmem>>) target_semaphore(%arg12 : memref<!tpu.dma_semaphore, #tpu.memory_space<semaphore_mem>>)
      %dma_start3A_12 = tpu.memref_slice %arg5[%add3A_10] : memref<320000xi32, #tpu.memory_space<hbm>> -> memref<80xi32, #tpu.memory_space<hbm>>
      %dma_start3A_13 = tpu.memref_slice %arg5[%add3A_10] : memref<320000xi32, #tpu.memory_space<hbm>> -> memref<80xi32, #tpu.memory_space<hbm>>
      tpu.enqueue_dma source(%dma_start3A_13 : memref<80xi32, #tpu.memory_space<hbm>>) target(%arg9 : memref<80xi32, #tpu.memory_space<vmem>>) target_semaphore(%arg13 : memref<!tpu.dma_semaphore, #tpu.memory_space<semaphore_mem>>)
      %dma_wait3A = tpu.memref_slice %arg4[%add3A_10] : memref<320000xi32, #tpu.memory_space<hbm>> -> memref<80xi32, #tpu.memory_space<hbm>>
      %dma_wait3A_14 = tpu.memref_slice %arg4[%add3A_10] : memref<320000xi32, #tpu.memory_space<hbm>> -> memref<80xi32, #tpu.memory_space<hbm>>
      tpu.wait_dma2 semaphore(%arg12 : memref<!tpu.dma_semaphore, #tpu.memory_space<semaphore_mem>>) src(%dma_wait3A_14 : memref<80xi32, #tpu.memory_space<hbm>>) dst(%arg8 : memref<80xi32, #tpu.memory_space<vmem>>)
      %dma_wait3A_15 = tpu.memref_slice %arg5[%add3A_10] : memref<320000xi32, #tpu.memory_space<hbm>> -> memref<80xi32, #tpu.memory_space<hbm>>
      %dma_wait3A_16 = tpu.memref_slice %arg5[%add3A_10] : memref<320000xi32, #tpu.memory_space<hbm>> -> memref<80xi32, #tpu.memory_space<hbm>>
      tpu.wait_dma2 semaphore(%arg13 : memref<!tpu.dma_semaphore, #tpu.memory_space<semaphore_mem>>) src(%dma_wait3A_16 : memref<80xi32, #tpu.memory_space<hbm>>) dst(%arg9 : memref<80xi32, #tpu.memory_space<vmem>>)
      %dma_start3A_17 = arith.constant 0 : i32
      %dma_start3A_18 = arith.constant 0 : i32
      %dma_start3A_19 = tpu.memref_slice %arg2[%dma_start3A_17, %dma_start3A_18] : memref<10000x128xf32, #tpu.memory_space<hbm>> -> memref<10000x128xf32, #tpu.memory_space<hbm>>
      tpu.enqueue_indirect_dma source(%dma_start3A_19 : memref<10000x128xf32, #tpu.memory_space<hbm>>) target(%arg10 : memref<80x128xf32, #tpu.memory_space<vmem>>) offsets(%arg8 : memref<80xi32, #tpu.memory_space<vmem>>) semaphore(%arg12 : memref<!tpu.dma_semaphore, #tpu.memory_space<semaphore_mem>>)
      %dma_start3A_20 = arith.constant 0 : i32
      %dma_start3A_21 = arith.constant 0 : i32
      %dma_start3A_22 = tpu.memref_slice %arg3[%dma_start3A_20, %dma_start3A_21] : memref<10000x128xf32, #tpu.memory_space<hbm>> -> memref<10000x128xf32, #tpu.memory_space<hbm>>
      tpu.enqueue_indirect_dma source(%dma_start3A_22 : memref<10000x128xf32, #tpu.memory_space<hbm>>) target(%arg11 : memref<80x128xf32, #tpu.memory_space<vmem>>) offsets(%arg9 : memref<80xi32, #tpu.memory_space<vmem>>) semaphore(%arg13 : memref<!tpu.dma_semaphore, #tpu.memory_space<semaphore_mem>>)
      %dma_wait3A_23 = arith.constant 0 : i32
      %dma_wait3A_24 = arith.constant 0 : i32
      %dma_wait3A_25 = tpu.memref_slice %arg2[%dma_wait3A_23, %dma_wait3A_24] : memref<10000x128xf32, #tpu.memory_space<hbm>> -> memref<10000x128xf32, #tpu.memory_space<hbm>>
      tpu.wait_indirect_dma semaphore(%arg12 : memref<!tpu.dma_semaphore, #tpu.memory_space<semaphore_mem>>) src(%dma_wait3A_25 : memref<10000x128xf32, #tpu.memory_space<hbm>>) dst(%arg10 : memref<80x128xf32, #tpu.memory_space<vmem>>)
      %dma_wait3A_26 = arith.constant 0 : i32
      %dma_wait3A_27 = arith.constant 0 : i32
      %dma_wait3A_28 = tpu.memref_slice %arg3[%dma_wait3A_26, %dma_wait3A_27] : memref<10000x128xf32, #tpu.memory_space<hbm>> -> memref<10000x128xf32, #tpu.memory_space<hbm>>
      tpu.wait_indirect_dma semaphore(%arg13 : memref<!tpu.dma_semaphore, #tpu.memory_space<semaphore_mem>>) src(%dma_wait3A_28 : memref<10000x128xf32, #tpu.memory_space<hbm>>) dst(%arg11 : memref<80x128xf32, #tpu.memory_space<vmem>>)
      %dma_start3A_29 = arith.constant 0 : i32
      %dma_start3A_30 = tpu.memref_slice %arg6[%add3A_10, %dma_start3A_29] : memref<320000x128xf32, #tpu.memory_space<hbm>> -> memref<80x128xf32, #tpu.memory_space<hbm>>
      %dma_start3A_31 = arith.constant 0 : i32
      %dma_start3A_32 = tpu.memref_slice %arg6[%add3A_10, %dma_start3A_31] : memref<320000x128xf32, #tpu.memory_space<hbm>> -> memref<80x128xf32, #tpu.memory_space<hbm>>
      tpu.enqueue_dma source(%arg10 : memref<80x128xf32, #tpu.memory_space<vmem>>) target(%dma_start3A_32 : memref<80x128xf32, #tpu.memory_space<hbm>>) target_semaphore(%arg12 : memref<!tpu.dma_semaphore, #tpu.memory_space<semaphore_mem>>)
      %dma_start3A_33 = arith.constant 0 : i32
      %dma_start3A_34 = tpu.memref_slice %arg7[%add3A_10, %dma_start3A_33] : memref<320000x128xf32, #tpu.memory_space<hbm>> -> memref<80x128xf32, #tpu.memory_space<hbm>>
      %dma_start3A_35 = arith.constant 0 : i32
      %dma_start3A_36 = tpu.memref_slice %arg7[%add3A_10, %dma_start3A_35] : memref<320000x128xf32, #tpu.memory_space<hbm>> -> memref<80x128xf32, #tpu.memory_space<hbm>>
      tpu.enqueue_dma source(%arg11 : memref<80x128xf32, #tpu.memory_space<vmem>>) target(%dma_start3A_36 : memref<80x128xf32, #tpu.memory_space<hbm>>) target_semaphore(%arg13 : memref<!tpu.dma_semaphore, #tpu.memory_space<semaphore_mem>>)
      %dma_wait3A_37 = arith.constant 0 : i32
      %dma_wait3A_38 = tpu.memref_slice %arg6[%add3A_10, %dma_wait3A_37] : memref<320000x128xf32, #tpu.memory_space<hbm>> -> memref<80x128xf32, #tpu.memory_space<hbm>>
      %dma_wait3A_39 = arith.constant 0 : i32
      %dma_wait3A_40 = tpu.memref_slice %arg6[%add3A_10, %dma_wait3A_39] : memref<320000x128xf32, #tpu.memory_space<hbm>> -> memref<80x128xf32, #tpu.memory_space<hbm>>
      tpu.wait_dma2 semaphore(%arg12 : memref<!tpu.dma_semaphore, #tpu.memory_space<semaphore_mem>>) src(%arg10 : memref<80x128xf32, #tpu.memory_space<vmem>>) dst(%dma_wait3A_40 : memref<80x128xf32, #tpu.memory_space<hbm>>)
      %dma_wait3A_41 = arith.constant 0 : i32
      %dma_wait3A_42 = tpu.memref_slice %arg7[%add3A_10, %dma_wait3A_41] : memref<320000x128xf32, #tpu.memory_space<hbm>> -> memref<80x128xf32, #tpu.memory_space<hbm>>
      %dma_wait3A_43 = arith.constant 0 : i32
      %dma_wait3A_44 = tpu.memref_slice %arg7[%add3A_10, %dma_wait3A_43] : memref<320000x128xf32, #tpu.memory_space<hbm>> -> memref<80x128xf32, #tpu.memory_space<hbm>>
      tpu.wait_dma2 semaphore(%arg13 : memref<!tpu.dma_semaphore, #tpu.memory_space<semaphore_mem>>) src(%arg11 : memref<80x128xf32, #tpu.memory_space<vmem>>) dst(%dma_wait3A_44 : memref<80x128xf32, #tpu.memory_space<hbm>>)
    }
    %scan3A_6 = arith.constant 125 : i32
    return
  }
}

module attributes {stable_mosaic.version = 14 : i64} {
  func.func @_tc1_body(%arg0: i32, %arg1: memref<1000x128xf32, #tpu.memory_space<vmem>>, %arg2: memref<128x256xf32, #tpu.memory_space<vmem>>, %arg3: memref<1x256xf32, #tpu.memory_space<vmem>>, %arg4: memref<1000x256xf32, #tpu.memory_space<vmem>>) attributes {dimension_semantics = [#tpu.dimension_semantics<arbitrary>], iteration_bounds = array<i64: 10>, scalar_prefetch = 0 : i64, scratch_operands = 0 : i64, tpu.core_type = #tpu.core_type<tc>, window_params = [{transform_indices = @transform_0, window_bounds = array<i64: 1000, 128>}, {pipeline_mode = #tpu.pipeline_mode<synchronous>, transform_indices = @transform_1, window_bounds = array<i64: 128, 256>}, {pipeline_mode = #tpu.pipeline_mode<synchronous>, transform_indices = @transform_2, window_bounds = array<i64: 1, 256>}, {transform_indices = @transform_3, window_bounds = array<i64: 1000, 256>}]} {
    %get3A = arith.constant 0 : index
    %get3A_0 = arith.constant 0 : index
    %get3A_1 = vector.load %arg1[%get3A, %get3A_0] : memref<1000x128xf32, #tpu.memory_space<vmem>>, vector<1000x128xf32>
    %get3A_2 = arith.constant 0 : index
    %get3A_3 = arith.constant 0 : index
    %get3A_4 = vector.load %arg2[%get3A_2, %get3A_3] : memref<128x256xf32, #tpu.memory_space<vmem>>, vector<128x256xf32>
    %dot_general3A = arith.constant dense<0.000000e+00> : vector<1000x256xf32>
    %dot_general3A_5 = tpu.matmul %get3A_1, %get3A_4, %dot_general3A {dimension_numbers = #tpu.dot_dimension_numbers<[1], [0], [0], [1], [0, 0, 1, 1], [], []>, transpose_lhs_hint = false} : vector<1000x128xf32>, vector<128x256xf32>, vector<1000x256xf32> -> vector<1000x256xf32>
    %get3A_6 = arith.constant 0 : index
    %get3A_7 = arith.constant 0 : index
    %get3A_8 = vector.load %arg3[%get3A_6, %get3A_7] : memref<1x256xf32, #tpu.memory_space<vmem>>, vector<1x256xf32>
    %add3A = vector.broadcast %get3A_8 : vector<1x256xf32> to vector<1000x256xf32>
    %add3A_9 = arith.addf %dot_general3A_5, %add3A : vector<1000x256xf32>
    %swap3A = arith.constant 0 : index
    %swap3A_10 = arith.constant 0 : index
    %swap3A_11 = vector.load %arg4[%swap3A, %swap3A_10] : memref<1000x256xf32, #tpu.memory_space<vmem>>, vector<1000x256xf32>
    tpu.vector_store %arg4[%swap3A, %swap3A_10], %add3A_9 {strides = array<i32>} : memref<1000x256xf32, #tpu.memory_space<vmem>>, vector<1000x256xf32>,
    return
  }
  func.func @transform_0(%arg0: i32) -> (i32, i32) {
    %c0_i32 = arith.constant 0 : i32
    %c0_i32_0 = arith.constant 0 : i32
    return %arg0, %c0_i32 : i32, i32
  }
  func.func @transform_1(%arg0: i32) -> (i32, i32) {
    %c0_i32 = arith.constant 0 : i32
    %c0_i32_0 = arith.constant 0 : i32
    %c0_i32_1 = arith.constant 0 : i32
    return %c0_i32, %c0_i32_0 : i32, i32
  }
  func.func @transform_2(%arg0: i32) -> (i32, i32) {
    %c0_i32 = arith.constant 0 : i32
    %c0_i32_0 = arith.constant 0 : i32
    %c0_i32_1 = arith.constant 0 : i32
    return %c0_i32, %c0_i32_0 : i32, i32
  }
  func.func @transform_3(%arg0: i32) -> (i32, i32) {
    %c0_i32 = arith.constant 0 : i32
    %c0_i32_0 = arith.constant 0 : i32
    return %arg0, %c0_i32 : i32, i32
  }
}

module attributes {stable_mosaic.version = 14 : i64} {
  func.func @_tc2_body(%arg0: i32, %arg1: memref<2000x128xf32, #tpu.memory_space<vmem>>, %arg2: memref<2000x128xf32, #tpu.memory_space<vmem>>, %arg3: memref<2000x16xf32, #tpu.memory_space<vmem>>, %arg4: memref<16x128xf32, #tpu.memory_space<vmem>>, %arg5: memref<128x8xf32, #tpu.memory_space<vmem>>, %arg6: memref<8x128xf32, #tpu.memory_space<vmem>>, %arg7: memref<2000x128xf32, #tpu.memory_space<vmem>>, %arg8: memref<2000x128xf32, #tpu.memory_space<vmem>>) attributes {dimension_semantics = [#tpu.dimension_semantics<arbitrary>], iteration_bounds = array<i64: 160>, scalar_prefetch = 0 : i64, scratch_operands = 0 : i64, tpu.core_type = #tpu.core_type<tc>, window_params = [{transform_indices = @transform_0, window_bounds = array<i64: 2000, 128>}, {transform_indices = @transform_1, window_bounds = array<i64: 2000, 128>}, {transform_indices = @transform_2, window_bounds = array<i64: 2000, 16>}, {pipeline_mode = #tpu.pipeline_mode<synchronous>, transform_indices = @transform_3, window_bounds = array<i64: 16, 128>}, {pipeline_mode = #tpu.pipeline_mode<synchronous>, transform_indices = @transform_4, window_bounds = array<i64: 128, 8>}, {pipeline_mode = #tpu.pipeline_mode<synchronous>, transform_indices = @transform_5, window_bounds = array<i64: 8, 128>}, {transform_indices = @transform_6, window_bounds = array<i64: 2000, 128>}, {transform_indices = @transform_7, window_bounds = array<i64: 2000, 128>}]} {
    %get3A = arith.constant 0 : index
    %get3A_0 = arith.constant 0 : index
    %get3A_1 = vector.load %arg1[%get3A, %get3A_0] : memref<2000x128xf32, #tpu.memory_space<vmem>>, vector<2000x128xf32>
    %get3A_2 = arith.constant 0 : index
    %get3A_3 = arith.constant 0 : index
    %get3A_4 = vector.load %arg3[%get3A_2, %get3A_3] : memref<2000x16xf32, #tpu.memory_space<vmem>>, vector<2000x16xf32>
    %get3A_5 = arith.constant 0 : index
    %get3A_6 = arith.constant 0 : index
    %get3A_7 = vector.load %arg4[%get3A_5, %get3A_6] : memref<16x128xf32, #tpu.memory_space<vmem>>, vector<16x128xf32>
    %dot_general3A = arith.constant dense<0.000000e+00> : vector<2000x128xf32>
    %dot_general3A_8 = tpu.matmul %get3A_4, %get3A_7, %dot_general3A {dimension_numbers = #tpu.dot_dimension_numbers<[1], [0], [0], [1], [0, 0, 1, 1], [], []>, transpose_lhs_hint = false} : vector<2000x16xf32>, vector<16x128xf32>, vector<2000x128xf32> -> vector<2000x128xf32>
    %get3A_9 = arith.constant 0 : index
    %get3A_10 = arith.constant 0 : index
    %get3A_11 = vector.load %arg2[%get3A_9, %get3A_10] : memref<2000x128xf32, #tpu.memory_space<vmem>>, vector<2000x128xf32>
    %add3A = arith.addf %get3A_1, %get3A_11 : vector<2000x128xf32>
    %add3A_12 = arith.addf %add3A, %dot_general3A_8 : vector<2000x128xf32>
    %ge3A = arith.constant 0.000000e+00 : f32
    %ge3A_13 = vector.broadcast %ge3A : f32 to vector<2000x128xf32>
    %ge3A_14 = arith.cmpf oge, %add3A_12, %ge3A_13 : vector<2000x128xf32>
    %mul3A = arith.constant 2.000000e-01 : f32
    %mul3A_15 = vector.broadcast %mul3A : f32 to vector<2000x128xf32>
    %mul3A_16 = arith.mulf %mul3A_15, %add3A_12 : vector<2000x128xf32>
    %select_n3A = arith.select %ge3A_14, %add3A_12, %mul3A_16 : vector<2000x128xi1>, vector<2000x128xf32>
    %get3A_17 = arith.constant 0 : index
    %get3A_18 = arith.constant 0 : index
    %get3A_19 = vector.load %arg5[%get3A_17, %get3A_18] : memref<128x8xf32, #tpu.memory_space<vmem>>, vector<128x8xf32>
    %dot_general3A_20 = arith.constant dense<0.000000e+00> : vector<2000x8xf32>
    %dot_general3A_21 = tpu.matmul %select_n3A, %get3A_19, %dot_general3A_20 {dimension_numbers = #tpu.dot_dimension_numbers<[1], [0], [0], [1], [0, 0, 1, 1], [], []>, transpose_lhs_hint = false} : vector<2000x128xf32>, vector<128x8xf32>, vector<2000x8xf32> -> vector<2000x8xf32>
    %exp3A = math.exp %dot_general3A_21 : vector<2000x8xf32>
    %get3A_22 = arith.constant 0 : index
    %get3A_23 = arith.constant 0 : index
    %get3A_24 = vector.load %arg6[%get3A_22, %get3A_23] : memref<8x128xf32, #tpu.memory_space<vmem>>, vector<8x128xf32>
    %dot_general3A_25 = arith.constant dense<0.000000e+00> : vector<2000x128xf32>
    %dot_general3A_26 = tpu.matmul %exp3A, %get3A_24, %dot_general3A_25 {dimension_numbers = #tpu.dot_dimension_numbers<[1], [0], [0], [1], [0, 0, 1, 1], [], []>, transpose_lhs_hint = false} : vector<2000x8xf32>, vector<8x128xf32>, vector<2000x128xf32> -> vector<2000x128xf32>
    %broadcast_in_dim3A = arith.constant 1.000000e+00 : f32
    %broadcast_in_dim3A_27 = vector.broadcast %broadcast_in_dim3A : f32 to vector<2000x1xf32>
    %broadcast_in_dim3A_28 = arith.constant 0.000000e+00 : f32
    %broadcast_in_dim3A_29 = vector.broadcast %broadcast_in_dim3A_28 : f32 to vector<2000x103xf32>
    %mul3A_30 = arith.mulf %get3A_1, %dot_general3A_26 : vector<2000x128xf32>
    %swap3A = arith.constant 0 : index
    %swap3A_31 = arith.constant 0 : index
    %swap3A_32 = vector.load %arg7[%swap3A, %swap3A_31] : memref<2000x128xf32, #tpu.memory_space<vmem>>, vector<2000x128xf32>
    tpu.vector_store %arg7[%swap3A, %swap3A_31], %mul3A_30 {strides = array<i32>} : memref<2000x128xf32, #tpu.memory_space<vmem>>, vector<2000x128xf32>,
    %get3A_33 = arith.constant 0 : index
    %get3A_34 = arith.constant 0 : index
    %get3A_35 = vector.load %arg3[%get3A_33, %get3A_34] : memref<2000x16xf32, #tpu.memory_space<vmem>>, vector<2000x16xf32>
    %concatenate3A = tpu.concatenate %exp3A, %get3A_35, %broadcast_in_dim3A_27, %broadcast_in_dim3A_29 in 1 : vector<2000x8xf32>, vector<2000x16xf32>, vector<2000x1xf32>, vector<2000x103xf32> -> vector<2000x128xf32>
    %swap3A_36 = arith.constant 0 : index
    %swap3A_37 = arith.constant 0 : index
    %swap3A_38 = vector.load %arg8[%swap3A_36, %swap3A_37] : memref<2000x128xf32, #tpu.memory_space<vmem>>, vector<2000x128xf32>
    tpu.vector_store %arg8[%swap3A_36, %swap3A_37], %concatenate3A {strides = array<i32>} : memref<2000x128xf32, #tpu.memory_space<vmem>>, vector<2000x128xf32>,
    return
  }
  func.func @transform_0(%arg0: i32) -> (i32, i32) {
    %c0_i32 = arith.constant 0 : i32
    %c0_i32_0 = arith.constant 0 : i32
    return %arg0, %c0_i32 : i32, i32
  }
  func.func @transform_1(%arg0: i32) -> (i32, i32) {
    %c0_i32 = arith.constant 0 : i32
    %c0_i32_0 = arith.constant 0 : i32
    return %arg0, %c0_i32 : i32, i32
  }
  func.func @transform_2(%arg0: i32) -> (i32, i32) {
    %c0_i32 = arith.constant 0 : i32
    %c0_i32_0 = arith.constant 0 : i32
    return %arg0, %c0_i32 : i32, i32
  }
  func.func @transform_3(%arg0: i32) -> (i32, i32) {
    %c0_i32 = arith.constant 0 : i32
    %c0_i32_0 = arith.constant 0 : i32
    %c0_i32_1 = arith.constant 0 : i32
    return %c0_i32, %c0_i32_0 : i32, i32
  }
  func.func @transform_4(%arg0: i32) -> (i32, i32) {
    %c0_i32 = arith.constant 0 : i32
    %c0_i32_0 = arith.constant 0 : i32
    %c0_i32_1 = arith.constant 0 : i32
    return %c0_i32, %c0_i32_0 : i32, i32
  }
  func.func @transform_5(%arg0: i32) -> (i32, i32) {
    %c0_i32 = arith.constant 0 : i32
    %c0_i32_0 = arith.constant 0 : i32
    %c0_i32_1 = arith.constant 0 : i32
    return %c0_i32, %c0_i32_0 : i32, i32
  }
  func.func @transform_6(%arg0: i32) -> (i32, i32) {
    %c0_i32 = arith.constant 0 : i32
    %c0_i32_0 = arith.constant 0 : i32
    return %arg0, %c0_i32 : i32, i32
  }
  func.func @transform_7(%arg0: i32) -> (i32, i32) {
    %c0_i32 = arith.constant 0 : i32
    %c0_i32_0 = arith.constant 0 : i32
    return %arg0, %c0_i32 : i32, i32
  }
}

module attributes {stable_mosaic.version = 14 : i64} {
  func.func @_tc3a_body(%arg0: i32, %arg1: memref<1000x128xf32, #tpu.memory_space<vmem>>, %arg2: memref<1000x128xf32, #tpu.memory_space<vmem>>, %arg3: memref<1000x128xf32, #tpu.memory_space<vmem>>, %arg4: memref<1000x128xf32, #tpu.memory_space<vmem>>, %arg5: memref<1000x128xf32, #tpu.memory_space<vmem>>, %arg6: memref<1000x128xf32, #tpu.memory_space<vmem>>, %arg7: memref<1000x128xf32, #tpu.memory_space<vmem>>, %arg8: memref<1000x16xf32, #tpu.memory_space<vmem>>, %arg9: memref<16x128xf32, #tpu.memory_space<vmem>>, %arg10: memref<128x8xf32, #tpu.memory_space<vmem>>, %arg11: memref<8x128xf32, #tpu.memory_space<vmem>>, %arg12: memref<1x128xf32, #tpu.memory_space<vmem>>, %arg13: memref<1000x128xf32, #tpu.memory_space<vmem>>, %arg14: memref<16x128xf32, #tpu.memory_space<vmem>>, %arg15: memref<16x128xf32, #tpu.memory_space<vmem>>, %arg16: memref<16x128xf32, #tpu.memory_space<vmem>>) attributes {dimension_semantics = [#tpu.dimension_semantics<arbitrary>], iteration_bounds = array<i64: 10>, scalar_prefetch = 0 : i64, scratch_operands = 0 : i64, tpu.core_type = #tpu.core_type<tc>, window_params = [{transform_indices = @transform_0, window_bounds = array<i64: 1000, 128>}, {transform_indices = @transform_1, window_bounds = array<i64: 1000, 128>}, {transform_indices = @transform_2, window_bounds = array<i64: 1000, 128>}, {transform_indices = @transform_3, window_bounds = array<i64: 1000, 128>}, {transform_indices = @transform_4, window_bounds = array<i64: 1000, 128>}, {transform_indices = @transform_5, window_bounds = array<i64: 1000, 128>}, {transform_indices = @transform_6, window_bounds = array<i64: 1000, 128>}, {transform_indices = @transform_7, window_bounds = array<i64: 1000, 16>}, {pipeline_mode = #tpu.pipeline_mode<synchronous>, transform_indices = @transform_8, window_bounds = array<i64: 16, 128>}, {pipeline_mode = #tpu.pipeline_mode<synchronous>, transform_indices = @transform_9, window_bounds = array<i64: 128, 8>}, {pipeline_mode = #tpu.pipeline_mode<synchronous>, transform_indices = @transform_10, window_bounds = array<i64: 8, 128>}, {pipeline_mode = #tpu.pipeline_mode<synchronous>, transform_indices = @transform_11, window_bounds = array<i64: 1, 128>}, {transform_indices = @transform_12, window_bounds = array<i64: 1000, 128>}, {pipeline_mode = #tpu.pipeline_mode<synchronous>, transform_indices = @transform_13, window_bounds = array<i64: 16, 128>}, {pipeline_mode = #tpu.pipeline_mode<synchronous>, transform_indices = @transform_14, window_bounds = array<i64: 16, 128>}, {pipeline_mode = #tpu.pipeline_mode<synchronous>, transform_indices = @transform_15, window_bounds = array<i64: 16, 128>}]} {
    %eq3A = arith.constant 0 : i32
    %eq3A_0 = arith.cmpi eq, %arg0, %eq3A : i32
    %convert_element_type3A = arith.extui %eq3A_0 : i1 to i32
    %cond3A = arith.constant 0 : i32
    %cond3A_1 = arith.cmpi ne, %convert_element_type3A, %cond3A : i32
    scf.if %cond3A_1 {
      %broadcast_in_dim3A_97 = arith.constant 0.000000e+00 : f32
      %broadcast_in_dim3A_98 = vector.broadcast %broadcast_in_dim3A_97 : f32 to vector<16x128xf32>
      %swap3A_99 = arith.constant 0 : index
      %swap3A_100 = arith.constant 0 : index
      %swap3A_101 = vector.load %arg14[%swap3A_99, %swap3A_100] : memref<16x128xf32, #tpu.memory_space<vmem>>, vector<16x128xf32>
      tpu.vector_store %arg14[%swap3A_99, %swap3A_100], %broadcast_in_dim3A_98 {strides = array<i32>} : memref<16x128xf32, #tpu.memory_space<vmem>>, vector<16x128xf32>,
      %broadcast_in_dim3A_102 = arith.constant 0.000000e+00 : f32
      %broadcast_in_dim3A_103 = vector.broadcast %broadcast_in_dim3A_102 : f32 to vector<16x128xf32>
      %swap3A_104 = arith.constant 0 : index
      %swap3A_105 = arith.constant 0 : index
      %swap3A_106 = vector.load %arg15[%swap3A_104, %swap3A_105] : memref<16x128xf32, #tpu.memory_space<vmem>>, vector<16x128xf32>
      tpu.vector_store %arg15[%swap3A_104, %swap3A_105], %broadcast_in_dim3A_103 {strides = array<i32>} : memref<16x128xf32, #tpu.memory_space<vmem>>, vector<16x128xf32>,
      %broadcast_in_dim3A_107 = arith.constant 0.000000e+00 : f32
      %broadcast_in_dim3A_108 = vector.broadcast %broadcast_in_dim3A_107 : f32 to vector<16x128xf32>
      %swap3A_109 = arith.constant 0 : index
      %swap3A_110 = arith.constant 0 : index
      %swap3A_111 = vector.load %arg16[%swap3A_109, %swap3A_110] : memref<16x128xf32, #tpu.memory_space<vmem>>, vector<16x128xf32>
      tpu.vector_store %arg16[%swap3A_109, %swap3A_110], %broadcast_in_dim3A_108 {strides = array<i32>} : memref<16x128xf32, #tpu.memory_space<vmem>>, vector<16x128xf32>,
    } else {
    }
    %get3A = arith.constant 0 : index
    %get3A_2 = arith.constant 0 : index
    %get3A_3 = vector.load %arg6[%get3A, %get3A_2] : memref<1000x128xf32, #tpu.memory_space<vmem>>, vector<1000x128xf32>
    %get3A_4 = arith.constant 0 : index
    %get3A_5 = arith.constant 0 : index
    %get3A_6 = vector.load %arg3[%get3A_4, %get3A_5] : memref<1000x128xf32, #tpu.memory_space<vmem>>, vector<1000x128xf32>
    %get3A_7 = arith.constant 0 : index
    %get3A_8 = arith.constant 0 : index
    %get3A_9 = vector.load %arg4[%get3A_7, %get3A_8] : memref<1000x128xf32, #tpu.memory_space<vmem>>, vector<1000x128xf32>
    %add3A = arith.addf %get3A_6, %get3A_9 : vector<1000x128xf32>
    %slice3A = vector.extract_strided_slice %add3A {offsets = [0, 24], sizes = [1000, 1], strides = [1, 1]} : vector<1000x128xf32> to vector<1000x1xf32>
    %slice3A_10 = vector.extract_strided_slice %add3A {offsets = [0, 8], sizes = [1000, 16], strides = [1, 1]} : vector<1000x128xf32> to vector<1000x16xf32>
    %max3A = arith.constant 1.000000e+00 : f32
    %max3A_11 = vector.broadcast %max3A : f32 to vector<1000x1xf32>
    %max3A_12 = arith.maximumf %slice3A, %max3A_11 : vector<1000x1xf32>
    %div3A = vector.broadcast %max3A_12 : vector<1000x1xf32> to vector<1000x16xf32>
    %div3A_13 = arith.divf %slice3A_10, %div3A : vector<1000x16xf32>
    %get3A_14 = arith.constant 0 : index
    %get3A_15 = arith.constant 0 : index
    %get3A_16 = vector.load %arg9[%get3A_14, %get3A_15] : memref<16x128xf32, #tpu.memory_space<vmem>>, vector<16x128xf32>
    %dot_general3A = arith.constant dense<0.000000e+00> : vector<1000x128xf32>
    %dot_general3A_17 = tpu.matmul %div3A_13, %get3A_16, %dot_general3A {dimension_numbers = #tpu.dot_dimension_numbers<[1], [0], [0], [1], [0, 0, 1, 1], [], []>, transpose_lhs_hint = false} : vector<1000x16xf32>, vector<16x128xf32>, vector<1000x128xf32> -> vector<1000x128xf32>
    %get3A_18 = arith.constant 0 : index
    %get3A_19 = arith.constant 0 : index
    %get3A_20 = vector.load %arg7[%get3A_18, %get3A_19] : memref<1000x128xf32, #tpu.memory_space<vmem>>, vector<1000x128xf32>
    %add3A_21 = arith.addf %get3A_3, %get3A_20 : vector<1000x128xf32>
    %add3A_22 = arith.addf %add3A_21, %dot_general3A_17 : vector<1000x128xf32>
    %ge3A = arith.constant 0.000000e+00 : f32
    %ge3A_23 = vector.broadcast %ge3A : f32 to vector<1000x128xf32>
    %ge3A_24 = arith.cmpf oge, %add3A_22, %ge3A_23 : vector<1000x128xf32>
    %mul3A = arith.constant 2.000000e-01 : f32
    %mul3A_25 = vector.broadcast %mul3A : f32 to vector<1000x128xf32>
    %mul3A_26 = arith.mulf %mul3A_25, %add3A_22 : vector<1000x128xf32>
    %select_n3A = arith.select %ge3A_24, %add3A_22, %mul3A_26 : vector<1000x128xi1>, vector<1000x128xf32>
    %get3A_27 = arith.constant 0 : index
    %get3A_28 = arith.constant 0 : index
    %get3A_29 = vector.load %arg10[%get3A_27, %get3A_28] : memref<128x8xf32, #tpu.memory_space<vmem>>, vector<128x8xf32>
    %dot_general3A_30 = arith.constant dense<0.000000e+00> : vector<1000x8xf32>
    %dot_general3A_31 = tpu.matmul %select_n3A, %get3A_29, %dot_general3A_30 {dimension_numbers = #tpu.dot_dimension_numbers<[1], [0], [0], [1], [0, 0, 1, 1], [], []>, transpose_lhs_hint = false} : vector<1000x128xf32>, vector<128x8xf32>, vector<1000x8xf32> -> vector<1000x8xf32>
    %exp3A = math.exp %dot_general3A_31 : vector<1000x8xf32>
    %slice3A_32 = vector.extract_strided_slice %add3A {offsets = [0, 0], sizes = [1000, 8], strides = [1, 1]} : vector<1000x128xf32> to vector<1000x8xf32>
    %add3A_33 = arith.addf %slice3A_32, %exp3A : vector<1000x8xf32>
    %get3A_34 = arith.constant 0 : index
    %get3A_35 = arith.constant 0 : index
    %get3A_36 = vector.load %arg1[%get3A_34, %get3A_35] : memref<1000x128xf32, #tpu.memory_space<vmem>>, vector<1000x128xf32>
    %get3A_37 = arith.constant 0 : index
    %get3A_38 = arith.constant 0 : index
    %get3A_39 = vector.load %arg2[%get3A_37, %get3A_38] : memref<1000x128xf32, #tpu.memory_space<vmem>>, vector<1000x128xf32>
    %add3A_40 = arith.addf %get3A_36, %get3A_39 : vector<1000x128xf32>
    %get3A_41 = arith.constant 0 : index
    %get3A_42 = arith.constant 0 : index
    %get3A_43 = vector.load %arg11[%get3A_41, %get3A_42] : memref<8x128xf32, #tpu.memory_space<vmem>>, vector<8x128xf32>
    %dot_general3A_44 = arith.constant dense<0.000000e+00> : vector<1000x128xf32>
    %dot_general3A_45 = tpu.matmul %exp3A, %get3A_43, %dot_general3A_44 {dimension_numbers = #tpu.dot_dimension_numbers<[1], [0], [0], [1], [0, 0, 1, 1], [], []>, transpose_lhs_hint = false} : vector<1000x8xf32>, vector<8x128xf32>, vector<1000x128xf32> -> vector<1000x128xf32>
    %mul3A_46 = arith.mulf %get3A_3, %dot_general3A_45 : vector<1000x128xf32>
    %add3A_47 = arith.addf %add3A_40, %mul3A_46 : vector<1000x128xf32>
    %get3A_48 = arith.constant 0 : index
    %get3A_49 = arith.constant 0 : index
    %get3A_50 = vector.load %arg11[%get3A_48, %get3A_49] : memref<8x128xf32, #tpu.memory_space<vmem>>, vector<8x128xf32>
    %dot_general3A_51 = arith.constant dense<0.000000e+00> : vector<1000x128xf32>
    %dot_general3A_52 = tpu.matmul %add3A_33, %get3A_50, %dot_general3A_51 {dimension_numbers = #tpu.dot_dimension_numbers<[1], [0], [0], [1], [0, 0, 1, 1], [], []>, transpose_lhs_hint = false} : vector<1000x8xf32>, vector<8x128xf32>, vector<1000x128xf32> -> vector<1000x128xf32>
    %div3A_53 = arith.divf %add3A_47, %dot_general3A_52 : vector<1000x128xf32>
    %get3A_54 = arith.constant 0 : index
    %get3A_55 = arith.constant 0 : index
    %get3A_56 = vector.load %arg12[%get3A_54, %get3A_55] : memref<1x128xf32, #tpu.memory_space<vmem>>, vector<1x128xf32>
    %add3A_57 = vector.broadcast %get3A_56 : vector<1x128xf32> to vector<1000x128xf32>
    %add3A_58 = arith.addf %div3A_53, %add3A_57 : vector<1000x128xf32>
    %get3A_59 = arith.constant 0 : index
    %get3A_60 = arith.constant 0 : index
    %get3A_61 = vector.load %arg5[%get3A_59, %get3A_60] : memref<1000x128xf32, #tpu.memory_space<vmem>>, vector<1000x128xf32>
    %add3A_62 = arith.addf %add3A_58, %get3A_61 : vector<1000x128xf32>
    %swap3A = arith.constant 0 : index
    %swap3A_63 = arith.constant 0 : index
    %swap3A_64 = vector.load %arg13[%swap3A, %swap3A_63] : memref<1000x128xf32, #tpu.memory_space<vmem>>, vector<1000x128xf32>
    tpu.vector_store %arg13[%swap3A, %swap3A_63], %add3A_62 {strides = array<i32>} : memref<1000x128xf32, #tpu.memory_space<vmem>>, vector<1000x128xf32>,
    %get3A_65 = arith.constant 0 : index
    %get3A_66 = arith.constant 0 : index
    %get3A_67 = vector.load %arg8[%get3A_65, %get3A_66] : memref<1000x16xf32, #tpu.memory_space<vmem>>, vector<1000x16xf32>
    %get3A_68 = arith.constant 0 : index
    %get3A_69 = arith.constant 0 : index
    %get3A_70 = vector.load %arg14[%get3A_68, %get3A_69] : memref<16x128xf32, #tpu.memory_space<vmem>>, vector<16x128xf32>
    %broadcast_in_dim3A = arith.constant 1.000000e+00 : f32
    %broadcast_in_dim3A_71 = vector.broadcast %broadcast_in_dim3A : f32 to vector<1000x128xf32>
    %dot_general3A_72 = arith.constant dense<0.000000e+00> : vector<16x128xf32>
    %dot_general3A_73 = tpu.matmul %get3A_67, %broadcast_in_dim3A_71, %dot_general3A_72 {dimension_numbers = #tpu.dot_dimension_numbers<[0], [0], [1], [1], [0, 1, 1, 1], [], []>, transpose_lhs_hint = false} : vector<1000x16xf32>, vector<1000x128xf32>, vector<16x128xf32> -> vector<16x128xf32>
    %add3A_74 = arith.addf %get3A_70, %dot_general3A_73 : vector<16x128xf32>
    %swap3A_75 = arith.constant 0 : index
    %swap3A_76 = arith.constant 0 : index
    %swap3A_77 = vector.load %arg14[%swap3A_75, %swap3A_76] : memref<16x128xf32, #tpu.memory_space<vmem>>, vector<16x128xf32>
    tpu.vector_store %arg14[%swap3A_75, %swap3A_76], %add3A_74 {strides = array<i32>} : memref<16x128xf32, #tpu.memory_space<vmem>>, vector<16x128xf32>,
    %get3A_78 = arith.constant 0 : index
    %get3A_79 = arith.constant 0 : index
    %get3A_80 = vector.load %arg15[%get3A_78, %get3A_79] : memref<16x128xf32, #tpu.memory_space<vmem>>, vector<16x128xf32>
    %dot_general3A_81 = arith.constant dense<0.000000e+00> : vector<16x128xf32>
    %dot_general3A_82 = tpu.matmul %get3A_67, %add3A_62, %dot_general3A_81 {dimension_numbers = #tpu.dot_dimension_numbers<[0], [0], [1], [1], [0, 1, 1, 1], [], []>, transpose_lhs_hint = false} : vector<1000x16xf32>, vector<1000x128xf32>, vector<16x128xf32> -> vector<16x128xf32>
    %add3A_83 = arith.addf %get3A_80, %dot_general3A_82 : vector<16x128xf32>
    %swap3A_84 = arith.constant 0 : index
    %swap3A_85 = arith.constant 0 : index
    %swap3A_86 = vector.load %arg15[%swap3A_84, %swap3A_85] : memref<16x128xf32, #tpu.memory_space<vmem>>, vector<16x128xf32>
    tpu.vector_store %arg15[%swap3A_84, %swap3A_85], %add3A_83 {strides = array<i32>} : memref<16x128xf32, #tpu.memory_space<vmem>>, vector<16x128xf32>,
    %get3A_87 = arith.constant 0 : index
    %get3A_88 = arith.constant 0 : index
    %get3A_89 = vector.load %arg16[%get3A_87, %get3A_88] : memref<16x128xf32, #tpu.memory_space<vmem>>, vector<16x128xf32>
    %mul3A_90 = arith.mulf %add3A_62, %add3A_62 : vector<1000x128xf32>
    %dot_general3A_91 = arith.constant dense<0.000000e+00> : vector<16x128xf32>
    %dot_general3A_92 = tpu.matmul %get3A_67, %mul3A_90, %dot_general3A_91 {dimension_numbers = #tpu.dot_dimension_numbers<[0], [0], [1], [1], [0, 1, 1, 1], [], []>, transpose_lhs_hint = false} : vector<1000x16xf32>, vector<1000x128xf32>, vector<16x128xf32> -> vector<16x128xf32>
    %add3A_93 = arith.addf %get3A_89, %dot_general3A_92 : vector<16x128xf32>
    %swap3A_94 = arith.constant 0 : index
    %swap3A_95 = arith.constant 0 : index
    %swap3A_96 = vector.load %arg16[%swap3A_94, %swap3A_95] : memref<16x128xf32, #tpu.memory_space<vmem>>, vector<16x128xf32>
    tpu.vector_store %arg16[%swap3A_94, %swap3A_95], %add3A_93 {strides = array<i32>} : memref<16x128xf32, #tpu.memory_space<vmem>>, vector<16x128xf32>,
    return
  }
  func.func @transform_0(%arg0: i32) -> (i32, i32) {
    %c0_i32 = arith.constant 0 : i32
    %c0_i32_0 = arith.constant 0 : i32
    return %arg0, %c0_i32 : i32, i32
  }
  func.func @transform_1(%arg0: i32) -> (i32, i32) {
    %c0_i32 = arith.constant 0 : i32
    %c0_i32_0 = arith.constant 0 : i32
    return %arg0, %c0_i32 : i32, i32
  }
  func.func @transform_2(%arg0: i32) -> (i32, i32) {
    %c0_i32 = arith.constant 0 : i32
    %c0_i32_0 = arith.constant 0 : i32
    return %arg0, %c0_i32 : i32, i32
  }
  func.func @transform_3(%arg0: i32) -> (i32, i32) {
    %c0_i32 = arith.constant 0 : i32
    %c0_i32_0 = arith.constant 0 : i32
    return %arg0, %c0_i32 : i32, i32
  }
  func.func @transform_4(%arg0: i32) -> (i32, i32) {
    %c0_i32 = arith.constant 0 : i32
    %c0_i32_0 = arith.constant 0 : i32
    return %arg0, %c0_i32 : i32, i32
  }
  func.func @transform_5(%arg0: i32) -> (i32, i32) {
    %c0_i32 = arith.constant 0 : i32
    %c0_i32_0 = arith.constant 0 : i32
    return %arg0, %c0_i32 : i32, i32
  }
  func.func @transform_6(%arg0: i32) -> (i32, i32) {
    %c0_i32 = arith.constant 0 : i32
    %c0_i32_0 = arith.constant 0 : i32
    return %arg0, %c0_i32 : i32, i32
  }
  func.func @transform_7(%arg0: i32) -> (i32, i32) {
    %c0_i32 = arith.constant 0 : i32
    %c0_i32_0 = arith.constant 0 : i32
    return %arg0, %c0_i32 : i32, i32
  }
  func.func @transform_8(%arg0: i32) -> (i32, i32) {
    %c0_i32 = arith.constant 0 : i32
    %c0_i32_0 = arith.constant 0 : i32
    %c0_i32_1 = arith.constant 0 : i32
    return %c0_i32, %c0_i32_0 : i32, i32
  }
  func.func @transform_9(%arg0: i32) -> (i32, i32) {
    %c0_i32 = arith.constant 0 : i32
    %c0_i32_0 = arith.constant 0 : i32
    %c0_i32_1 = arith.constant 0 : i32
    return %c0_i32, %c0_i32_0 : i32, i32
  }
  func.func @transform_10(%arg0: i32) -> (i32, i32) {
    %c0_i32 = arith.constant 0 : i32
    %c0_i32_0 = arith.constant 0 : i32
    %c0_i32_1 = arith.constant 0 : i32
    return %c0_i32, %c0_i32_0 : i32, i32
  }
  func.func @transform_11(%arg0: i32) -> (i32, i32) {
    %c0_i32 = arith.constant 0 : i32
    %c0_i32_0 = arith.constant 0 : i32
    %c0_i32_1 = arith.constant 0 : i32
    return %c0_i32, %c0_i32_0 : i32, i32
  }
  func.func @transform_12(%arg0: i32) -> (i32, i32) {
    %c0_i32 = arith.constant 0 : i32
    %c0_i32_0 = arith.constant 0 : i32
    return %arg0, %c0_i32 : i32, i32
  }
  func.func @transform_13(%arg0: i32) -> (i32, i32) {
    %c0_i32 = arith.constant 0 : i32
    %c0_i32_0 = arith.constant 0 : i32
    %c0_i32_1 = arith.constant 0 : i32
    return %c0_i32, %c0_i32_0 : i32, i32
  }
  func.func @transform_14(%arg0: i32) -> (i32, i32) {
    %c0_i32 = arith.constant 0 : i32
    %c0_i32_0 = arith.constant 0 : i32
    %c0_i32_1 = arith.constant 0 : i32
    return %c0_i32, %c0_i32_0 : i32, i32
  }
  func.func @transform_15(%arg0: i32) -> (i32, i32) {
    %c0_i32 = arith.constant 0 : i32
    %c0_i32_0 = arith.constant 0 : i32
    %c0_i32_1 = arith.constant 0 : i32
    return %c0_i32, %c0_i32_0 : i32, i32
  }
}

module attributes {stable_mosaic.version = 14 : i64} {
  func.func @_tc3b_body(%arg0: i32, %arg1: memref<1000x128xf32, #tpu.memory_space<vmem>>, %arg2: memref<1000x16xf32, #tpu.memory_space<vmem>>, %arg3: memref<16x128xf32, #tpu.memory_space<vmem>>, %arg4: memref<16x128xf32, #tpu.memory_space<vmem>>, %arg5: memref<16x128xf32, #tpu.memory_space<vmem>>, %arg6: memref<1x128xf32, #tpu.memory_space<vmem>>, %arg7: memref<1x128xf32, #tpu.memory_space<vmem>>, %arg8: memref<1x128xf32, #tpu.memory_space<vmem>>, %arg9: memref<1000x128xf32, #tpu.memory_space<vmem>>) attributes {dimension_semantics = [#tpu.dimension_semantics<arbitrary>], iteration_bounds = array<i64: 10>, scalar_prefetch = 0 : i64, scratch_operands = 0 : i64, tpu.core_type = #tpu.core_type<tc>, window_params = [{transform_indices = @transform_0, window_bounds = array<i64: 1000, 128>}, {transform_indices = @transform_1, window_bounds = array<i64: 1000, 16>}, {pipeline_mode = #tpu.pipeline_mode<synchronous>, transform_indices = @transform_2, window_bounds = array<i64: 16, 128>}, {pipeline_mode = #tpu.pipeline_mode<synchronous>, transform_indices = @transform_3, window_bounds = array<i64: 16, 128>}, {pipeline_mode = #tpu.pipeline_mode<synchronous>, transform_indices = @transform_4, window_bounds = array<i64: 16, 128>}, {pipeline_mode = #tpu.pipeline_mode<synchronous>, transform_indices = @transform_5, window_bounds = array<i64: 1, 128>}, {pipeline_mode = #tpu.pipeline_mode<synchronous>, transform_indices = @transform_6, window_bounds = array<i64: 1, 128>}, {pipeline_mode = #tpu.pipeline_mode<synchronous>, transform_indices = @transform_7, window_bounds = array<i64: 1, 128>}, {transform_indices = @transform_8, window_bounds = array<i64: 1000, 128>}]} {
    %get3A = arith.constant 0 : index
    %get3A_0 = arith.constant 0 : index
    %get3A_1 = vector.load %arg3[%get3A, %get3A_0] : memref<16x128xf32, #tpu.memory_space<vmem>>, vector<16x128xf32>
    %max3A = arith.constant 1.000000e+00 : f32
    %max3A_2 = vector.broadcast %max3A : f32 to vector<16x128xf32>
    %max3A_3 = arith.maximumf %get3A_1, %max3A_2 : vector<16x128xf32>
    %get3A_4 = arith.constant 0 : index
    %get3A_5 = arith.constant 0 : index
    %get3A_6 = vector.load %arg4[%get3A_4, %get3A_5] : memref<16x128xf32, #tpu.memory_space<vmem>>, vector<16x128xf32>
    %div3A = arith.divf %get3A_6, %max3A_3 : vector<16x128xf32>
    %get3A_7 = arith.constant 0 : index
    %get3A_8 = arith.constant 0 : index
    %get3A_9 = vector.load %arg6[%get3A_7, %get3A_8] : memref<1x128xf32, #tpu.memory_space<vmem>>, vector<1x128xf32>
    %get3A_10 = arith.constant 0 : index
    %get3A_11 = arith.constant 0 : index
    %get3A_12 = vector.load %arg5[%get3A_10, %get3A_11] : memref<16x128xf32, #tpu.memory_space<vmem>>, vector<16x128xf32>
    %div3A_13 = arith.divf %get3A_12, %max3A_3 : vector<16x128xf32>
    %mul3A = arith.mulf %get3A_9, %get3A_9 : vector<1x128xf32>
    %mul3A_14 = arith.constant 2.000000e+00 : f32
    %mul3A_15 = vector.broadcast %mul3A_14 : f32 to vector<1x128xf32>
    %mul3A_16 = arith.mulf %mul3A_15, %get3A_9 : vector<1x128xf32>
    %sub3A = arith.subf %mul3A, %mul3A_16 : vector<1x128xf32>
    %mul3A_17 = vector.broadcast %sub3A : vector<1x128xf32> to vector<16x128xf32>
    %mul3A_18 = arith.mulf %mul3A_17, %div3A : vector<16x128xf32>
    %mul3A_19 = arith.mulf %mul3A_18, %div3A : vector<16x128xf32>
    %add3A = arith.addf %div3A_13, %mul3A_19 : vector<16x128xf32>
    %add3A_20 = arith.constant 9.99999974E-6 : f32
    %add3A_21 = vector.broadcast %add3A_20 : f32 to vector<16x128xf32>
    %add3A_22 = arith.addf %add3A, %add3A_21 : vector<16x128xf32>
    %sqrt3A = math.sqrt %add3A_22 : vector<16x128xf32>
    %get3A_23 = arith.constant 0 : index
    %get3A_24 = arith.constant 0 : index
    %get3A_25 = vector.load %arg2[%get3A_23, %get3A_24] : memref<1000x16xf32, #tpu.memory_space<vmem>>, vector<1000x16xf32>
    %dot_general3A = arith.constant dense<0.000000e+00> : vector<1000x128xf32>
    %dot_general3A_26 = tpu.matmul %get3A_25, %div3A, %dot_general3A {dimension_numbers = #tpu.dot_dimension_numbers<[1], [0], [0], [1], [0, 0, 1, 1], [], []>, transpose_lhs_hint = false} : vector<1000x16xf32>, vector<16x128xf32>, vector<1000x128xf32> -> vector<1000x128xf32>
    %dot_general3A_27 = arith.constant dense<0.000000e+00> : vector<1000x128xf32>
    %dot_general3A_28 = tpu.matmul %get3A_25, %sqrt3A, %dot_general3A_27 {dimension_numbers = #tpu.dot_dimension_numbers<[1], [0], [0], [1], [0, 0, 1, 1], [], []>, transpose_lhs_hint = false} : vector<1000x16xf32>, vector<16x128xf32>, vector<1000x128xf32> -> vector<1000x128xf32>
    %get3A_29 = arith.constant 0 : index
    %get3A_30 = arith.constant 0 : index
    %get3A_31 = vector.load %arg1[%get3A_29, %get3A_30] : memref<1000x128xf32, #tpu.memory_space<vmem>>, vector<1000x128xf32>
    %mul3A_32 = vector.broadcast %get3A_9 : vector<1x128xf32> to vector<1000x128xf32>
    %mul3A_33 = arith.mulf %mul3A_32, %dot_general3A_26 : vector<1000x128xf32>
    %sub3A_34 = arith.subf %get3A_31, %mul3A_33 : vector<1000x128xf32>
    %div3A_35 = arith.divf %sub3A_34, %dot_general3A_28 : vector<1000x128xf32>
    %get3A_36 = arith.constant 0 : index
    %get3A_37 = arith.constant 0 : index
    %get3A_38 = vector.load %arg7[%get3A_36, %get3A_37] : memref<1x128xf32, #tpu.memory_space<vmem>>, vector<1x128xf32>
    %mul3A_39 = vector.broadcast %get3A_38 : vector<1x128xf32> to vector<1000x128xf32>
    %mul3A_40 = arith.mulf %div3A_35, %mul3A_39 : vector<1000x128xf32>
    %get3A_41 = arith.constant 0 : index
    %get3A_42 = arith.constant 0 : index
    %get3A_43 = vector.load %arg8[%get3A_41, %get3A_42] : memref<1x128xf32, #tpu.memory_space<vmem>>, vector<1x128xf32>
    %add3A_44 = vector.broadcast %get3A_43 : vector<1x128xf32> to vector<1000x128xf32>
    %add3A_45 = arith.addf %mul3A_40, %add3A_44 : vector<1000x128xf32>
    %gt3A = arith.constant 0.000000e+00 : f32
    %gt3A_46 = vector.broadcast %gt3A : f32 to vector<1000x128xf32>
    %gt3A_47 = arith.cmpf ogt, %add3A_45, %gt3A_46 : vector<1000x128xf32>
    %min3A = arith.constant 0.000000e+00 : f32
    %min3A_48 = vector.broadcast %min3A : f32 to vector<1000x128xf32>
    %min3A_49 = arith.minimumf %add3A_45, %min3A_48 : vector<1000x128xf32>
    %exp3A = math.exp %min3A_49 : vector<1000x128xf32>
    %sub3A_50 = arith.constant 1.000000e+00 : f32
    %sub3A_51 = vector.broadcast %sub3A_50 : f32 to vector<1000x128xf32>
    %sub3A_52 = arith.subf %exp3A, %sub3A_51 : vector<1000x128xf32>
    %select_n3A = arith.select %gt3A_47, %add3A_45, %sub3A_52 : vector<1000x128xi1>, vector<1000x128xf32>
    %swap3A = arith.constant 0 : index
    %swap3A_53 = arith.constant 0 : index
    %swap3A_54 = vector.load %arg9[%swap3A, %swap3A_53] : memref<1000x128xf32, #tpu.memory_space<vmem>>, vector<1000x128xf32>
    tpu.vector_store %arg9[%swap3A, %swap3A_53], %select_n3A {strides = array<i32>} : memref<1000x128xf32, #tpu.memory_space<vmem>>, vector<1000x128xf32>,
    return
  }
  func.func @transform_0(%arg0: i32) -> (i32, i32) {
    %c0_i32 = arith.constant 0 : i32
    %c0_i32_0 = arith.constant 0 : i32
    return %arg0, %c0_i32 : i32, i32
  }
  func.func @transform_1(%arg0: i32) -> (i32, i32) {
    %c0_i32 = arith.constant 0 : i32
    %c0_i32_0 = arith.constant 0 : i32
    return %arg0, %c0_i32 : i32, i32
  }
  func.func @transform_2(%arg0: i32) -> (i32, i32) {
    %c0_i32 = arith.constant 0 : i32
    %c0_i32_0 = arith.constant 0 : i32
    %c0_i32_1 = arith.constant 0 : i32
    return %c0_i32, %c0_i32_0 : i32, i32
  }
  func.func @transform_3(%arg0: i32) -> (i32, i32) {
    %c0_i32 = arith.constant 0 : i32
    %c0_i32_0 = arith.constant 0 : i32
    %c0_i32_1 = arith.constant 0 : i32
    return %c0_i32, %c0_i32_0 : i32, i32
  }
  func.func @transform_4(%arg0: i32) -> (i32, i32) {
    %c0_i32 = arith.constant 0 : i32
    %c0_i32_0 = arith.constant 0 : i32
    %c0_i32_1 = arith.constant 0 : i32
    return %c0_i32, %c0_i32_0 : i32, i32
  }
  func.func @transform_5(%arg0: i32) -> (i32, i32) {
    %c0_i32 = arith.constant 0 : i32
    %c0_i32_0 = arith.constant 0 : i32
    %c0_i32_1 = arith.constant 0 : i32
    return %c0_i32, %c0_i32_0 : i32, i32
  }
  func.func @transform_6(%arg0: i32) -> (i32, i32) {
    %c0_i32 = arith.constant 0 : i32
    %c0_i32_0 = arith.constant 0 : i32
    %c0_i32_1 = arith.constant 0 : i32
    return %c0_i32, %c0_i32_0 : i32, i32
  }
  func.func @transform_7(%arg0: i32) -> (i32, i32) {
    %c0_i32 = arith.constant 0 : i32
    %c0_i32_0 = arith.constant 0 : i32
    %c0_i32_1 = arith.constant 0 : i32
    return %c0_i32, %c0_i32_0 : i32, i32
  }
  func.func @transform_8(%arg0: i32) -> (i32, i32) {
    %c0_i32 = arith.constant 0 : i32
    %c0_i32_0 = arith.constant 0 : i32
    return %arg0, %c0_i32 : i32, i32
  }
}

</mosaic_0001>

<sc_bundles>
// kernel: kernel.11.cloned.1.call-start
scs
__scs_entry_jumppad:
0x0: {  	(pc) =	sbr.rel $0x88, $3  }
0x1: {  	(tag) =	ssettag $0x0;
	lr =	simm.s32 $0x1  }
0x2: {  	[smem:$0x3F93] =	sst lr;
	_ =	strace $0xD0000000  }
0x3: {  	_ = 	snop  }
0x4: {  	_ = 	snop  }
0x5: {  	_ = 	snop  }
0x6: {  	_ = 	snop  }
0x7: {  	_ = 	snop  }
__scs_overlays_trampoline_lowered:
0x8: {  	[smem:$0x3FA2] =	sst s0  }
0x9: {  	[smem:$0x3FA3] =	sst s1  }
0xa: {  	[smem:$0x3FA4] =	sst s2  }
0xb: {  	[smem:$0x3FA5] =	sst s3  }
0xc: {  	[smem:$0x3FA6] =	sst s4  }
0xd: {  	[smem:$0x3FA7] =	sst s5  }
0xe: {  	[smem:$0x3FA8] =	sst s6  }
0xf: {  	[smem:$0x3FA9] =	sst s7  }
0x10: {  	[smem:$0x3FAA] =	sst s8  }
0x11: {  	[smem:$0x3FAB] =	sst s9;
	s0 =	simm.s32 @!p0 $0x0  }
0x12: {  	s1 =	sld [smem:$0x3F91];
	s0 =	simm.s32 @p0 $0x1  }
0x13: {  	[smem:$0x3FAC] =	sst s0;
	s0 =	simm.s32 @!p1 $0x0  }
0x14: {  	s2 =	sld [smem:$0x3F90];
	s0 =	simm.s32 @p1 $0x1  }
0x15: {  	[smem:$0x3FAD] =	sst s0;
	s0 =	simm.s32 @!p2 $0x0  }
0x16: {  	s3 =	sld [smem:$0x3FDB];
	s0 =	simm.s32 @p2 $0x1  }
0x17: {  	s4 =	simm.s32 $0x1BF5;
	[smem:$0x3FAF] =	sst s0  }
0x18: {  	s0 =	sld [smem:$0x3F92];
	_ =	swait.ge [sflag:s4], $0x0  }
0x19: {  	s7 =	sld [smem:$0x3F93]  }
0x1a: {  	s8 =	sadd.s32 $0xFFFFE003, lr  }
0x1b: {  	s9 =	sadd.s32 $0xFFFFFEF7, lr;
	s5 =	simm.s32 $0xFFFFFFFF;
	p2 =	slt.u32 s8, $0xFFFFF086  }
0x1c: {  	p1 =	slt.u32 s9, $0xF7A;
	s5 =	simm.s32 @!p2 $0x0  }
0x1d: {  	s5 =	simm.s32 @p1 $0x1;
	p0 =	seq.s32 s7, s2  }
0x1e: {  	s7 =	smul.u32 @!p0 $0xF7A, s2;
	p2 =	seq.s32 @!p0 s5, $0x0  }
0x1f: {  	s9 =	smul.u32 $0xF7A, s1;
	s8 =	simm.s32 @!p0 $0x1BF5;
	p2 =	por !p2, p0  }
0x20: {  	[sflag:s8] =	ssyncset.s32 @!p0 $0xFFFFF086;
	s6 =	sadd.s32 @!p0 s3, s7;
	s7 =	simm.s32 @!p0 $0x108  }
0x21: {  	s3 =	sadd.s32 s3, s9;
	s6 =	sadd.s32 @!p0 $0x88, s6;
	s7 =	simm.s32 @p2 $0x1082  }
0x22: {  	[simem:s7], [sflag:s8] =	dma.local @!p0 [hbm:s6], $0xF7A  }
0x23: {  	s9 =	sor.u32 $0xD0000000, s2;
	s6 =	simm.s32 $0x108;
	_ =	swait.ge @!p0 [sflag:s8], $0x0  }
0x24: {  	s3 =	sadd.s32 $0x88, s3;
	s6 =	simm.s32 @!p1 $0x1082;
	[sflag:s4] =	ssyncset.s32 $0xFFFFF086  }
0x25: {  	[simem:s6], [sflag:s4] =	dma.local [hbm:s3], $0xF7A  }
0x26: {  	[smem:$0x3F93] =	sst s1;
	(tag) =	ssettag s2;
	_ =	strace s9  }
0x27: {  	s1 =	sld [smem:$0x3FA3]  }
0x28: {  	s2 =	sld [smem:$0x3FA4]  }
0x29: {  	s4 =	sld [smem:$0x3FA6]  }
0x2a: {  	p0 =	seq.s32 s5, $0x0;
	s5 =	sld [smem:$0x3FA7]  }
0x2b: {  	s6 =	sld [smem:$0x3FA8]  }
0x2c: {  	s7 =	sld [smem:$0x3FA9]  }
0x2d: {  	s3 =	simm.s32 $0x108;
	s8 =	sld [smem:$0x3FAA]  }
0x2e: {  	s3 =	simm.s32 @!p0 $0x1082;
	s9 =	sld [smem:$0x3FAB]  }
0x2f: {  	lr =	sadd.s32 s0, s3;
	s0 =	sld [smem:$0x3FA2]  }
0x30: {  	s3 =	sld [smem:$0x3FA5]  }
0x31: {  	[smem:$0x3FAE] =	sst s10  }
0x32: {  	s10 =	sld [smem:$0x3FAC];
	_ =	sdelay $0x3  }
0x33: {  	p0 =	seq.s32 s10, $0x1;
	s10 =	sld [smem:$0x3FAE];
	_ =	sdelay $0x3  }
0x34: {  	[smem:$0x3FAE] =	sst s10  }
0x35: {  	s10 =	sld [smem:$0x3FAD];
	_ =	sdelay $0x3  }
0x36: {  	p1 =	seq.s32 s10, $0x1;
	s10 =	sld [smem:$0x3FAE];
	_ =	sdelay $0x3  }
0x37: {  	[smem:$0x3FAE] =	sst s10  }
0x38: {  	s10 =	sld [smem:$0x3FAF]  }
0x39: {  	_ = 	snop;
	(pc) =	sbr.ind lr, $3  }
0x3a: {  	_ = 	snop  }
0x3b: {  	_ = 	snop  }
0x3c: {  	p2 =	seq.s32 s10, $0x1;
	s10 =	sld [smem:$0x3FAE]  }
0x3d: {  	_ =	shalt  }
0x3e: {  	_ =	shalt  }
0x3f: {  	_ =	shalt  }
0x40: {  	_ =	shalt  }
0x41: {  	_ =	shalt  }
0x42: {  	_ =	shalt  }
0x43: {  	_ =	shalt  }
0x44: {  	_ =	shalt  }
0x45: {  	_ =	shalt  }
0x46: {  	_ =	shalt  }
0x47: {  	_ =	shalt  }
0x48: {  	_ =	shalt  }
0x49: {  	_ =	shalt  }
0x4a: {  	_ =	shalt  }
0x4b: {  	_ =	shalt  }
0x4c: {  	_ =	shalt  }
0x4d: {  	_ =	shalt  }
0x4e: {  	_ =	shalt  }
0x4f: {  	_ =	shalt  }
0x50: {  	_ =	shalt  }
0x51: {  	_ =	shalt  }
0x52: {  	_ =	shalt  }
0x53: {  	_ =	shalt  }
0x54: {  	_ =	shalt  }
0x55: {  	_ =	shalt  }
0x56: {  	_ =	shalt  }
0x57: {  	_ =	shalt  }
0x58: {  	_ =	shalt  }
0x59: {  	_ =	shalt  }
0x5a: {  	_ =	shalt  }
0x5b: {  	_ =	shalt  }
0x5c: {  	_ =	shalt  }
0x5d: {  	_ =	shalt  }
0x5e: {  	_ =	shalt  }
0x5f: {  	_ =	shalt  }
0x60: {  	_ =	shalt  }
0x61: {  	_ =	shalt  }
0x62: {  	_ =	shalt  }
0x63: {  	_ =	shalt  }
0x64: {  	_ =	shalt  }
0x65: {  	_ =	shalt  }
0x66: {  	_ =	shalt  }
0x67: {  	_ =	shalt  }
0x68: {  	_ =	shalt  }
0x69: {  	_ =	shalt  }
0x6a: {  	_ =	shalt  }
0x6b: {  	_ =	shalt  }
0x6c: {  	_ =	shalt  }
0x6d: {  	_ =	shalt  }
0x6e: {  	_ =	shalt  }
0x6f: {  	_ =	shalt  }
0x70: {  	_ =	shalt  }
0x71: {  	_ =	shalt  }
0x72: {  	_ =	shalt  }
0x73: {  	_ =	shalt  }
0x74: {  	_ =	shalt  }
0x75: {  	_ =	shalt  }
0x76: {  	_ =	shalt  }
0x77: {  	_ =	shalt  }
0x78: {  	_ =	shalt  }
0x79: {  	_ =	shalt  }
0x7a: {  	_ =	shalt  }
0x7b: {  	_ =	shalt  }
0x7c: {  	_ =	shalt  }
0x7d: {  	_ =	shalt  }
0x7e: {  	_ =	shalt  }
0x7f: {  	_ =	shalt  }
0x80: {  	_ =	shalt  }
0x81: {  	_ =	shalt  }
0x82: {  	_ =	shalt  }
0x83: {  	_ =	shalt  }
0x84: {  	_ =	shalt  }
0x85: {  	_ =	shalt  }
0x86: {  	_ =	shalt  }
0x87: {  	_ =	shalt  }
.Lfunc_end0:
.L_simem_size_0:
called_computation.1_lowered:
.L_overlay_start_0:
0x88: {  	s2 =	sld [smem:$0x3FD9]  }
0x89: {  	s3 =	sld [smem:$0x3FFE];
	_ =	sdelay $0x1  }
0x8a: {  	s1 =	srdreg.scid  }
0x8b: {  	s0 =	sand.u32 $0x1, s1  }
0x8c: {  	s16 =	sshll.u32 s0, $0xA;
	s2 =	sadd.s32 s3, s2  }
0x8d: {  	s2 =	sadd.s32 s2, s16  }
0x8e: {  	[smem:$0x3FBA] =	sst s2  }
0x8f: {  	_ = 	snop  }
0x90: {  	(tm) =	ssettm $0x1  }
0x91: {  	s17 =	sld [smem:$0x3FFB];
	_ =	sdelay $0x3  }
0x92: {  	_ =	strace s17  }
0x93: {  	s2 =	sld [smem:$0x3FFC];
	_ =	sdelay $0x3  }
0x94: {  	_ =	strace s2  }
0x95: {  	s2 =	sld [smem:$0x3FFD];
	_ =	sdelay $0x3  }
0x96: {  	_ =	strace s2  }
0x97: {  	_ =	strace $0x8FFFFFFF  }
0x98: {  	s18 =	sld [smem:$0x3FDB];
	_ =	sdelay $0x1  }
0x99: {  	s19 =	simm.s32 $_scs_section_size  }
0x9a: {  	s4 =	simm.s32 $_size__tile_overlayer_lowered;
	s5 =	simm.s32 $_tile_overlayer_lowered  }
0x9b: {  	s22 =	simm.s32 $0x1BFF;
	s21 =	sshll.u32 s5, $0x1;
	s2 =	sadd.s32 s19, s18  }
0x9c: {  	s6 =	simm.s32 $0x0;
	s20 =	sshll.u32 s4, $0x1;
	s4 =	sadd.s32 s21, s2  }
0x9d: {  	[timem:s6], [sflag:s22] =	dma.local [hbm:s4], s20  }
0x9e: {  	_ =	swait.ge [sflag:s22], s20  }
0x9f: {  	s3 =	ssub.s32 $0x0, s20;
	[sflag:s22] =	ssyncset.done $0x0  }
0xa0: {  	[sflag:s22] =	ssyncadd.s32 s3;
	_ =	sdelay $0x1  }
0xa1: {  	s23 =	simm.s32 $0x1B8B  }
0xa2: {  	_ =	swait.ge [sflag:s23], $0x1  }
0xa3: {  	[sflag:s23] =	ssyncset.done $0x0  }
0xa4: {  	s25 =	simm.s32 $0x1B8E;
	s24 =	sld [smem:$0x3FFE];
	[sflag:s23] =	ssyncadd.s32 $0xFFFFFFFF  }
0xa5: {  	s26 =	simm.s32 $execute0_lowered;
	[smem:$0x3FD2] =	sst s25  }
0xa6: {  	s4 =	sshll.u32 s26, $0x1;
	_ =	strace $0x80000049;
	[dreg:$0x1] =	wrdreg $0xFFFFFFFF  }
0xa7: {  	s28 =	simm.s32 $_size_execute0_lowered;
	s2 =	sadd.s32 s2, s4;
	[dreg:$0x0] =	wrdreg $0x0  }
0xa8: {  	s4 =	sshll.u32 s28, $0x1;
	[dreg:$0x2] =	wrdreg s2  }
0xa9: {  	[dreg:$0x3] =	wrdreg s4  }
0xaa: {  	[dreg:$0x4] =	wrdreg $0xC0  }
0xab: {  	_ =	task [dreg:s6], $0x5FFFF  }
0xac: {  	[dreg:$0x1] =	wrdreg $0xFFFFFFFF  }
0xad: {  	[dreg:$0x0] =	wrdreg $0x60  }
0xae: {  	[dreg:$0x2] =	wrdreg s24  }
0xaf: {  	[dreg:$0x3] =	wrdreg $0x0  }
0xb0: {  	[dreg:$0x4] =	wrdreg $0x9  }
0xb1: {  	_ =	task.clear_ibuf [dreg:s6], $0x5FFFF;
	_ =	strace $0x90000049  }
0xb2: {  	s29 =	simm.s32 $0x9;
	_ =	strace $0x8000004B  }
0xb3: {  	_ =	swait.ge [sflag:s29], $0x1  }
0xb4: {  	[sflag:s29] =	ssyncadd.s32 $0xFFFFFFFF  }
0xb5: {  	_ =	strace $0x9000004B  }
0xb6: {  	_ =	sfence  }
0xb7: {  	s30 =	sld [smem:$0x0];
	_ =	sdelay $0x2  }
0xb8: {  	s31 =	sshll.u32 s1, $0xD;
	s1 =	sshrl.u32 s1, $0x2  }
0xb9: {  	s3 =	sand.u32 $0x4000, s31;
	s1 =	sadd.s32 s1, s30  }
0xba: {  	s0 =	sor.u32 s3, s0;
	s1 =	sshll.u32 s1, $0x11  }
0xbb: {  	s0 =	sor.u32 s1, s0  }
0xbc: {  	s0 =	sadd.s32 $0x8F2B, s0  }
0xbd: {  	[sflag:s0] =	ssyncadd.remote.s32 $0x1  }
0xbe: {  	_ =	sfence.sel $0xFFFF  }
0xbf: {  	[dreg:$0x0] =	wrdreg $0xFFFFFFFF;
	(pc) =	sbr.abs _section_cstart, $3  }
0xc0: {  	[dreg:$0x1] =	wrdreg $0xFFFFFFFF  }
0xc1: {  	_ =	task.clear_ibuf [dreg:s6], $0x2FFFF;
	_ =	strace $0x9FFFFFFF  }
0xc2: {  	(tm) =	ssettm $0x7FFFFFFF  }
0xc3: {  	_ =	shalt  }
tec
execute0_lowered:
.L_overlay_start_1:
0x0: {  	(tag) =	ssettag $0x1  }
0x1: {  	s0 =	stileid.u32;
	s7 =	rddreg [dreg:$0x0]  }
0x2: {  	s1 =	srdreg.scid;
	s2 =	rddreg [dreg:$0x1];
	s4 =	simm.s32 $0x0  }
0x3: {  	s13 =	simm.s32 $0x3;
	s14 =	simm.s32 $0x50;
	s15 =	simm.s32 $0x13880  }
0x4: {  	s16 =	simm.s32 $0x1;
	s17 =	simm.s32 $0x2;
	s5 =	smul.u32 $0x4E200, s0  }
0x5: {  	s6 =	sand.u32 $0x1, s1;
	s1 =	rddreg [dreg:$0x2];
	s8 =	smul.u32 $0x4E20, s0  }
0x6: {  	s18 =	simm.s32 $0x0;
	[smem:$0x7FF] =	sst s4;
	s3 =	smul.u32 $0x2710, s6  }
0x7: {  	_ =	strace $0x8000004A;
	s30 =	ssub.s32 $0x2, s6;
	s10 =	smul.u32 $0x27100, s6  }
0x8: {  	s6 =	sadd.s32 $0x3F600, s7;
	s9 =	sadd.s32 s5, s7;
	s12 =	sshrl.u32 s30, $0x1  }
0x9: {  	s29 =	sadd.s32 s3, s8;
	s8 =	ssub.s32 s30, s12;
	s31 =	sadd.s32 s10, s9  }
0xa: {  	s12 =	simm.s32 $0x13900;
	s5 =	sshrl.u32 s29, $0x3;
	s8 =	smax.u32 s8, $0x1  }
0xb: {  	s9 =	sadd.s32 $0xEE6000, s31;
	s11 =	sadd.s32 s5, s7;
	s5 =	sadd.s32 $0x2BA00, s7  }
0xc: {  	v0 =	vlaneseq.u32;
	s7 =	sadd.s32 $0x8D800, s7;
	s10 =	sadd.s32 $0x35800, s11;
	s11 =	sadd.s32 $0x13C8000, s31  }
.LBB2_1:
0xd: {  	[tilespmem:s12], [sflag:$0x3] =	stream.linear.gather [hbm4b:s5+s4], $0x2800, $0x38;
	[tilespmem:$0x16100] =	vst v63  }
0xe: {  	s19 =	sadd.s32 $0x0, s0  }
0xf: {  	p0 =	slt.s32 s19, $0x7C  }
0x10: {  	s19 =	simm.s32 @!p0 $0x7C  }
0x11: {  	_ =	swait.ge [sflag:s13], $0x2800;
	s19 =	smul.u32 $0x50, s19  }
0x12: {  	[sflag:s13] =	ssyncset.done $0x0  }
0x13: {  	[sflag:s13] =	ssyncadd.s32 $0xFFFFD800;
	v1 =	vor.u32 s19, v0;
	s20 =	sadd.s32 $0x40, s19  }
0x14: {  	s21 =	sadd.s32 $0x30, s19;
	[tilespmem:$0x13880] =	vst v1;
	v1 =	vor.u32 s20, v0  }
0x15: {  	s31 =	sadd.s32 $0x20, s19;
	v2 =	vor.u32 s21, v0;
	[tilespmem:$0x138C0] =	vst v1  }
0x16: {  	s19 =	sadd.s32 $0x10, s19;
	s20 =	sadd.s32 $0x10, s0;
	v1 =	vor.u32 s31, v0;
	[tilespmem:$0x138B0] =	vst v2  }
0x17: {  	v2 =	vor.u32 s19, v0;
	p0 =	slt.s32 s20, $0x7C;
	[tilespmem:$0x138A0] =	vst v1  }
0x18: {  	[tilespmem:$0x13890] =	vst v2;
	s20 =	simm.s32 @!p0 $0x7C  }
0x19: {  	[spmem:s2] =	stream.indirect.scatter [tilespmem:s12], [sflag:$0x3], $0x80, s15, s14, $0xb8;
	[tilespmem:$0x16100] =	vst v63  }
0x1a: {  	s19 =	smul.u32 $0x50, s20;
	_ =	swait.ge [sflag:s13], $0x2800  }
0x1b: {  	s20 =	simm.s32 $0x20;
	[sflag:s13] =	ssyncset.done $0x0  }
.LBB2_2:
0x1c: {  	p0 =	sne.s32 s20, $0x70;
	v1 =	vor.u32 s19, v0;
	s21 =	sadd.s32 $0x40, s19;
	[sflag:s13] =	ssyncadd.s32 $0xFFFFD800  }
0x1d: {  	s22 =	sadd.s32 $0x30, s19;
	[tilespmem:$0x13880] =	vst v1;
	v1 =	vor.u32 s21, v0  }
0x1e: {  	s23 =	sadd.s32 $0x20, s19;
	s21 =	sadd.s32 s20, s0;
	v2 =	vor.u32 s22, v0;
	[tilespmem:$0x138C0] =	vst v1  }
.Ltmp0:
0x1f: {  	s19 =	sadd.s32 $0x10, s19;
	p1 =	slt.s32 s21, $0x7C;
	v1 =	vor.u32 s23, v0;
	[tilespmem:$0x138B0] =	vst v2;
	(pc) =	sbr.rel @p0 .LBB2_2-.Ltmp0, $4  }
0x20: {  	s21 =	simm.s32 @!p1 $0x7C;
	v2 =	vor.u32 s19, v0;
	[tilespmem:$0x138A0] =	vst v1  }
0x21: {  	[tilespmem:$0x13890] =	vst v2;
	[spmem:s2] =	stream.indirect.scatter [tilespmem:s12], [sflag:$0x3], $0x80, s15, s14, $0xb8  }
0x22: {  	s19 =	smul.u32 $0x50, s21;
	_ =	swait.ge [sflag:s13], $0x2800  }
0x23: {  	s20 =	sadd.s32 $0x10, s20;
	[sflag:s13] =	ssyncset.done $0x0  }
0x24: {  	v1 =	vor.u32 s19, v0;
	s20 =	sadd.s32 $0x40, s19;
	[sflag:s13] =	ssyncadd.s32 $0xFFFFD800  }
0x25: {  	s21 =	sadd.s32 $0x30, s19;
	[tilespmem:$0x13880] =	vst v1;
	v1 =	vor.u32 s20, v0  }
0x26: {  	s29 =	sadd.s32 $0x20, s19;
	v2 =	vor.u32 s21, v0;
	[tilespmem:$0x138C0] =	vst v1  }
0x27: {  	s30 =	sadd.s32 $0x10, s19;
	v1 =	vor.u32 s29, v0;
	[tilespmem:$0x138B0] =	vst v2  }
0x28: {  	v2 =	vor.u32 s30, v0;
	[tilespmem:$0x138A0] =	vst v1  }
0x29: {  	[tilespmem:$0x13890] =	vst v2  }
0x2a: {  	[spmem:s2] =	stream.indirect.scatter [tilespmem:s12], [sflag:$0x3], $0x80, s15, s14, $0xb8;
	[tilespmem:$0x16100] =	vst v63  }
0x2b: {  	_ =	swait.ge [sflag:s13], $0x2800  }
0x2c: {  	[sflag:s13] =	ssyncset.done $0x0  }
0x2d: {  	[sflag:s13] =	ssyncadd.s32 $0xFFFFD800  }
0x2e: {  	s31 =	sadd.s32 $0x0, s10;
	[bflag:$0x0] =	sbarrier.arrive $0xFFFF  }
0x2f: {  	[tilespmem:s15], [sflag:$0x1] =	stream.linear.gather [hbm4b:s31+s4], $0x50, $0x38;
	[tilespmem:$0x16100] =	vst v63  }
0x30: {  	_ = 	snop  }
0x31: {  	[tilespmem:s12], [sflag:$0x2] =	stream.linear.gather [hbm4b:s9+s4], $0x2800, $0x38;
	[tilespmem:$0x16100] =	vst v63  }
0x32: {  	_ =	swait.ge [sflag:s16], $0x50  }
0x33: {  	[sflag:s16] =	ssyncset.done $0x0  }
0x34: {  	[sflag:s16] =	ssyncadd.s32 $0xFFFFFFB0  }
0x35: {  	_ =	swait.ge [sflag:s17], $0x2800  }
0x36: {  	[sflag:s17] =	ssyncset.done $0x0  }
0x37: {  	[sflag:s17] =	ssyncadd.s32 $0xFFFFD800  }
0x38: {  	[spmem:s2] =	stream.indirect.scatter.add.f32 [tilespmem:s12], [sflag:$0x3], $0x80, s15, s14, $0xb8;
	[tilespmem:$0x16100] =	vst v63  }
0x39: {  	s19 =	sadd.s32 $0x500, s9;
	_ =	swait.ge [sflag:s13], $0x2800  }
0x3a: {  	s20 =	simm.s32 $0xA;
	s21 =	simm.s32 $0x14;
	[sflag:s13] =	ssyncset.done $0x0  }
.LBB2_4:
0x3b: {  	s22 =	sadd.s32 s20, s10  }
0x3c: {  	[sflag:s13] =	ssyncadd.s32 $0xFFFFD800;
	s20 =	smov.u32 s21;
	s23 =	sadd.s32 $0xA, s21  }
0x3d: {  	[tilespmem:s15], [sflag:$0x1] =	stream.linear.gather [hbm4b:s22+s4], $0x50, $0x38;
	[tilespmem:$0x16100] =	vst v63  }
0x3e: {  	p0 =	sne.s32 s21, $0x4D8  }
0x3f: {  	[tilespmem:s12], [sflag:$0x2] =	stream.linear.gather [hbm4b:s19+s4], $0x2800, $0x38;
	[tilespmem:$0x16100] =	vst v63  }
0x40: {  	_ =	swait.ge [sflag:s16], $0x50  }
0x41: {  	[sflag:s16] =	ssyncset.done $0x0  }
0x42: {  	[sflag:s16] =	ssyncadd.s32 $0xFFFFFFB0  }
0x43: {  	_ =	swait.ge [sflag:s17], $0x2800  }
.Ltmp1:
0x44: {  	[sflag:s17] =	ssyncset.done $0x0;
	(pc) =	sbr.rel @p0 .LBB2_4-.Ltmp1, $4  }
0x45: {  	[sflag:s17] =	ssyncadd.s32 $0xFFFFD800  }
0x46: {  	[spmem:s2] =	stream.indirect.scatter.add.f32 [tilespmem:s12], [sflag:$0x3], $0x80, s15, s14, $0xb8;
	[tilespmem:$0x16100] =	vst v63  }
0x47: {  	_ =	swait.ge [sflag:s13], $0x2800  }
0x48: {  	s21 =	smov.u32 s23;
	s19 =	sadd.s32 $0x500, s19;
	[sflag:s13] =	ssyncset.done $0x0  }
0x49: {  	s20 =	sadd.s32 s20, s10;
	[sflag:s13] =	ssyncadd.s32 $0xFFFFD800  }
0x4a: {  	[tilespmem:s15], [sflag:$0x1] =	stream.linear.gather [hbm4b:s20+s4], $0x50, $0x38;
	[tilespmem:$0x16100] =	vst v63  }
0x4b: {  	_ = 	snop  }
0x4c: {  	[tilespmem:s12], [sflag:$0x2] =	stream.linear.gather [hbm4b:s19+s4], $0x2800, $0x38;
	[tilespmem:$0x16100] =	vst v63  }
0x4d: {  	_ =	swait.ge [sflag:s16], $0x50  }
0x4e: {  	[sflag:s16] =	ssyncset.done $0x0  }
0x4f: {  	[sflag:s16] =	ssyncadd.s32 $0xFFFFFFB0  }
0x50: {  	s19 =	sadd.s32 $0x0, s0;
	_ =	swait.ge [sflag:s17], $0x2800  }
0x51: {  	p0 =	slt.s32 s19, $0x7C;
	[sflag:s17] =	ssyncset.done $0x0  }
0x52: {  	s19 =	simm.s32 @!p0 $0x7C;
	[sflag:s17] =	ssyncadd.s32 $0xFFFFD800  }
0x53: {  	[spmem:s2] =	stream.indirect.scatter.add.f32 [tilespmem:s12], [sflag:$0x3], $0x80, s15, s14, $0xb8;
	[tilespmem:$0x16100] =	vst v63  }
0x54: {  	s30 =	smul.u32 $0x50, s19;
	_ =	swait.ge [sflag:s13], $0x2800  }
0x55: {  	[sflag:s13] =	ssyncset.done $0x0  }
0x56: {  	s21 =	sadd.s32 $0x40, s30;
	[sflag:s13] =	ssyncadd.s32 $0xFFFFD800  }
0x57: {  	s19 =	simm.s32 $0x20;
	s22 =	sadd.s32 $0x20, s30;
	v1 =	vor.u32 s21, v0;
	[bflag:$0x0] =	sbarrier.arrive $0xFFFF  }
0x58: {  	s31 =	sadd.s32 $0x10, s30;
	s23 =	sadd.s32 s3, s30;
	v3 =	vor.u32 s22, v0;
	s22 =	sadd.s32 $0x10, s0;
	[tilespmem:$0x138C0] =	vst v1  }
0x59: {  	s20 =	sadd.s32 $0x30, s30;
	v2 =	vor.u32 s31, v0;
	s21 =	sshll.u32 s23, $0x4;
	p1 =	slt.s32 s22, $0x7C;
	v1 =	vor.u32 s30, v0;
	[tilespmem:$0x138A0] =	vst v3  }
.LBB2_6:
0x5a: {  	p0 =	sne.s32 s19, $0x70  }
0x5b: {  	s22 =	simm.s32 @!p1 $0x7C;
	[tilespmem:$0x13890] =	vst v2;
	s23 =	smov.u32 s19;
	s19 =	sadd.s32 $0x10, s19  }
0x5c: {  	[tilespmem:$0x13880] =	vst v1;
	v1 =	vor.u32 s20, v0  }
0x5d: {  	s21 =	sadd.s32 s6, s21;
	s22 =	smul.u32 $0x50, s22;
	[tilespmem:$0x138B0] =	vst v1  }
0x5e: {  	[tilespmem:s12], [sflag:$0x3] =	stream.indirect.gather [spmem:s2], $0x80, s15, s14, $0xb8;
	[tilespmem:$0x16100] =	vst v63  }
0x5f: {  	v1 =	vor.u32 s22, v0;
	s20 =	sadd.s32 $0x10, s22;
	s24 =	sadd.s32 $0x20, s22;
	_ =	swait.ge [sflag:s13], $0x2800  }
0x60: {  	v2 =	vor.u32 s20, v0;
	v3 =	vor.u32 s24, v0;
	s20 =	sadd.s32 $0x30, s22;
	s24 =	sadd.s32 $0x40, s22;
	[sflag:s13] =	ssyncset.done $0x0  }
0x61: {  	s22 =	sadd.s32 s3, s22;
	v4 =	vor.u32 s24, v0;
	[sflag:s13] =	ssyncadd.s32 $0xFFFFD800  }
0x62: {  	[hbm4b:s21+s4] =	stream.linear.scatter [tilespmem:s12], [sflag:$0x3], $0x2800, $0x38;
	[tilespmem:$0x16100] =	vst v63  }
.Ltmp2:
0x63: {  	s21 =	sshll.u32 s22, $0x4;
	_ =	swait.ge [sflag:s13], $0x2800;
	(pc) =	sbr.rel @p0 .LBB2_6-.Ltmp2, $4  }
0x64: {  	[sflag:s13] =	ssyncset.done $0x0  }
0x65: {  	[sflag:s13] =	ssyncadd.s32 $0xFFFFD800  }
0x66: {  	s22 =	sadd.s32 s23, s0;
	[tilespmem:$0x138C0] =	vst v4  }
0x67: {  	p1 =	slt.s32 s22, $0x7C;
	[tilespmem:$0x138A0] =	vst v3  }
0x68: {  	[tilespmem:$0x13890] =	vst v2  }
0x69: {  	[tilespmem:$0x13880] =	vst v1;
	v1 =	vor.u32 s20, v0  }
0x6a: {  	[tilespmem:$0x138B0] =	vst v1  }
0x6b: {  	[tilespmem:s12], [sflag:$0x3] =	stream.indirect.gather [spmem:s2], $0x80, s15, s14, $0xb8;
	[tilespmem:$0x16100] =	vst v63  }
0x6c: {  	_ =	swait.ge [sflag:s13], $0x2800  }
0x6d: {  	s22 =	simm.s32 @!p1 $0x7C;
	[sflag:s13] =	ssyncset.done $0x0  }
0x6e: {  	s19 =	smul.u32 $0x50, s22;
	s22 =	sadd.s32 s6, s21;
	[sflag:s13] =	ssyncadd.s32 $0xFFFFD800  }
0x6f: {  	[hbm4b:s22+s4] =	stream.linear.scatter [tilespmem:s12], [sflag:$0x3], $0x2800, $0x38;
	[tilespmem:$0x16100] =	vst v63  }
0x70: {  	_ =	swait.ge [sflag:s13], $0x2800  }
0x71: {  	s23 =	sadd.s32 $0x40, s19;
	[sflag:s13] =	ssyncset.done $0x0  }
0x72: {  	s24 =	sadd.s32 $0x20, s19;
	v1 =	vor.u32 s23, v0;
	[sflag:s13] =	ssyncadd.s32 $0xFFFFD800  }
0x73: {  	s25 =	sadd.s32 $0x10, s19;
	v2 =	vor.u32 s24, v0;
	[tilespmem:$0x138C0] =	vst v1  }
0x74: {  	v1 =	vor.u32 s25, v0;
	[tilespmem:$0x138A0] =	vst v2  }
0x75: {  	s26 =	sadd.s32 $0x30, s19;
	v2 =	vor.u32 s19, v0;
	[tilespmem:$0x13890] =	vst v1  }
0x76: {  	[tilespmem:$0x13880] =	vst v2;
	v1 =	vor.u32 s26, v0  }
0x77: {  	[tilespmem:$0x138B0] =	vst v1  }
0x78: {  	[tilespmem:s12], [sflag:$0x3] =	stream.indirect.gather [spmem:s2], $0x80, s15, s14, $0xb8;
	[tilespmem:$0x16100] =	vst v63  }
0x79: {  	s19 =	sadd.s32 s3, s19;
	_ =	swait.ge [sflag:s13], $0x2800  }
0x7a: {  	s19 =	sshll.u32 s19, $0x4;
	[sflag:s13] =	ssyncset.done $0x0  }
0x7b: {  	s19 =	sadd.s32 s6, s19;
	[sflag:s13] =	ssyncadd.s32 $0xFFFFD800  }
0x7c: {  	[hbm4b:s19+s4] =	stream.linear.scatter [tilespmem:s12], [sflag:$0x3], $0x2800, $0x38;
	[tilespmem:$0x16100] =	vst v63  }
0x7d: {  	_ =	swait.ge [sflag:s13], $0x2800  }
0x7e: {  	s19 =	sadd.s32 $0x0, s0;
	[sflag:s13] =	ssyncset.done $0x0  }
0x7f: {  	p0 =	slt.s32 s19, $0x7C;
	[sflag:s13] =	ssyncadd.s32 $0xFFFFD800  }
0x80: {  	s28 =	simm.s32 $0x0;
	s19 =	simm.s32 @!p0 $0x7C;
	[bflag:$0x0] =	sbarrier.arrive $0xFFFF  }
0x81: {  	[tilespmem:s12], [sflag:$0x3] =	stream.linear.gather [hbm4b:s5+s28], $0x2800, $0x38;
	[tilespmem:$0x16100] =	vst v63  }
0x82: {  	s19 =	smul.u32 $0x50, s19;
	_ =	swait.ge [sflag:s13], $0x2800  }
0x83: {  	[sflag:s13] =	ssyncset.done $0x0  }
0x84: {  	v1 =	vor.u32 s19, v0;
	s30 =	sadd.s32 $0x30, s19;
	[sflag:s13] =	ssyncadd.s32 $0xFFFFD800  }
0x85: {  	s29 =	sadd.s32 $0x40, s19;
	v2 =	vor.u32 s30, v0;
	[tilespmem:$0x13880] =	vst v1  }
0x86: {  	s31 =	sadd.s32 $0x20, s19;
	s19 =	sadd.s32 $0x10, s19;
	v1 =	vor.u32 s29, v0;
	[tilespmem:$0x138B0] =	vst v2  }
0x87: {  	s20 =	sadd.s32 $0x10, s0;
	v2 =	vor.u32 s19, v0;
	[tilespmem:$0x138C0] =	vst v1  }
0x88: {  	p0 =	slt.s32 s20, $0x7C;
	v1 =	vor.u32 s31, v0;
	[tilespmem:$0x13890] =	vst v2  }
0x89: {  	s20 =	simm.s32 @!p0 $0x7C;
	[tilespmem:$0x138A0] =	vst v1  }
0x8a: {  	[spmem:s2] =	stream.indirect.scatter [tilespmem:s12], [sflag:$0x3], $0x80, s15, s14, $0xb8;
	[tilespmem:$0x16100] =	vst v63  }
0x8b: {  	s19 =	smul.u32 $0x50, s20;
	_ =	swait.ge [sflag:s13], $0x2800  }
0x8c: {  	s20 =	simm.s32 $0x20;
	[sflag:s13] =	ssyncset.done $0x0  }
.LBB2_8:
0x8d: {  	p0 =	sne.s32 s20, $0x70;
	v1 =	vor.u32 s19, v0;
	s21 =	sadd.s32 $0x40, s19;
	[sflag:s13] =	ssyncadd.s32 $0xFFFFD800  }
0x8e: {  	s22 =	sadd.s32 $0x30, s19;
	[tilespmem:$0x13880] =	vst v1;
	v1 =	vor.u32 s21, v0  }
0x8f: {  	s23 =	sadd.s32 $0x20, s19;
	s21 =	sadd.s32 s20, s0;
	v2 =	vor.u32 s22, v0;
	[tilespmem:$0x138C0] =	vst v1  }
.Ltmp3:
0x90: {  	s19 =	sadd.s32 $0x10, s19;
	p1 =	slt.s32 s21, $0x7C;
	v1 =	vor.u32 s23, v0;
	[tilespmem:$0x138B0] =	vst v2;
	(pc) =	sbr.rel @p0 .LBB2_8-.Ltmp3, $4  }
0x91: {  	s21 =	simm.s32 @!p1 $0x7C;
	v2 =	vor.u32 s19, v0;
	[tilespmem:$0x138A0] =	vst v1  }
0x92: {  	[tilespmem:$0x13890] =	vst v2;
	[spmem:s2] =	stream.indirect.scatter [tilespmem:s12], [sflag:$0x3], $0x80, s15, s14, $0xb8  }
0x93: {  	s19 =	smul.u32 $0x50, s21;
	_ =	swait.ge [sflag:s13], $0x2800  }
0x94: {  	s20 =	sadd.s32 $0x10, s20;
	[sflag:s13] =	ssyncset.done $0x0  }
0x95: {  	v1 =	vor.u32 s19, v0;
	s20 =	sadd.s32 $0x40, s19;
	[sflag:s13] =	ssyncadd.s32 $0xFFFFD800  }
0x96: {  	s21 =	sadd.s32 $0x30, s19;
	[tilespmem:$0x13880] =	vst v1;
	v1 =	vor.u32 s20, v0  }
0x97: {  	s29 =	sadd.s32 $0x20, s19;
	v2 =	vor.u32 s21, v0;
	[tilespmem:$0x138C0] =	vst v1  }
0x98: {  	s30 =	sadd.s32 $0x10, s19;
	v1 =	vor.u32 s29, v0;
	[tilespmem:$0x138B0] =	vst v2  }
0x99: {  	v2 =	vor.u32 s30, v0;
	[tilespmem:$0x138A0] =	vst v1  }
0x9a: {  	[tilespmem:$0x13890] =	vst v2  }
0x9b: {  	[spmem:s2] =	stream.indirect.scatter [tilespmem:s12], [sflag:$0x3], $0x80, s15, s14, $0xb8;
	[tilespmem:$0x16100] =	vst v63  }
0x9c: {  	_ =	swait.ge [sflag:s13], $0x2800  }
0x9d: {  	[sflag:s13] =	ssyncset.done $0x0  }
0x9e: {  	[sflag:s13] =	ssyncadd.s32 $0xFFFFD800  }
0x9f: {  	s31 =	sadd.s32 $0x0, s10;
	[bflag:$0x0] =	sbarrier.arrive $0xFFFF  }
0xa0: {  	[tilespmem:s15], [sflag:$0x1] =	stream.linear.gather [hbm4b:s31+s4], $0x50, $0x38;
	[tilespmem:$0x16100] =	vst v63  }
0xa1: {  	_ = 	snop  }
0xa2: {  	[tilespmem:s12], [sflag:$0x2] =	stream.linear.gather [hbm4b:s11+s4], $0x2800, $0x38;
	[tilespmem:$0x16100] =	vst v63  }
0xa3: {  	_ =	swait.ge [sflag:s16], $0x50  }
0xa4: {  	[sflag:s16] =	ssyncset.done $0x0  }
0xa5: {  	[sflag:s16] =	ssyncadd.s32 $0xFFFFFFB0  }
0xa6: {  	_ =	swait.ge [sflag:s17], $0x2800  }
0xa7: {  	[sflag:s17] =	ssyncset.done $0x0  }
0xa8: {  	[sflag:s17] =	ssyncadd.s32 $0xFFFFD800  }
0xa9: {  	[spmem:s2] =	stream.indirect.scatter.add.f32 [tilespmem:s12], [sflag:$0x3], $0x80, s15, s14, $0xb8;
	[tilespmem:$0x16100] =	vst v63  }
0xaa: {  	s19 =	sadd.s32 $0x500, s11;
	_ =	swait.ge [sflag:s13], $0x2800  }
0xab: {  	s20 =	simm.s32 $0xA;
	s21 =	simm.s32 $0x14;
	[sflag:s13] =	ssyncset.done $0x0  }
.LBB2_10:
0xac: {  	s22 =	sadd.s32 s20, s10  }
0xad: {  	[sflag:s13] =	ssyncadd.s32 $0xFFFFD800;
	s20 =	smov.u32 s21;
	s23 =	sadd.s32 $0xA, s21  }
0xae: {  	[tilespmem:s15], [sflag:$0x1] =	stream.linear.gather [hbm4b:s22+s4], $0x50, $0x38;
	[tilespmem:$0x16100] =	vst v63  }
0xaf: {  	p0 =	sne.s32 s21, $0x4D8  }
0xb0: {  	[tilespmem:s12], [sflag:$0x2] =	stream.linear.gather [hbm4b:s19+s4], $0x2800, $0x38;
	[tilespmem:$0x16100] =	vst v63  }
0xb1: {  	_ =	swait.ge [sflag:s16], $0x50  }
0xb2: {  	[sflag:s16] =	ssyncset.done $0x0  }
0xb3: {  	[sflag:s16] =	ssyncadd.s32 $0xFFFFFFB0  }
0xb4: {  	_ =	swait.ge [sflag:s17], $0x2800  }
.Ltmp4:
0xb5: {  	[sflag:s17] =	ssyncset.done $0x0;
	(pc) =	sbr.rel @p0 .LBB2_10-.Ltmp4, $4  }
0xb6: {  	[sflag:s17] =	ssyncadd.s32 $0xFFFFD800  }
0xb7: {  	[spmem:s2] =	stream.indirect.scatter.add.f32 [tilespmem:s12], [sflag:$0x3], $0x80, s15, s14, $0xb8;
	[tilespmem:$0x16100] =	vst v63  }
0xb8: {  	_ =	swait.ge [sflag:s13], $0x2800  }
0xb9: {  	s21 =	smov.u32 s23;
	s19 =	sadd.s32 $0x500, s19;
	[sflag:s13] =	ssyncset.done $0x0  }
0xba: {  	s20 =	sadd.s32 s20, s10;
	[sflag:s13] =	ssyncadd.s32 $0xFFFFD800  }
0xbb: {  	[tilespmem:s15], [sflag:$0x1] =	stream.linear.gather [hbm4b:s20+s4], $0x50, $0x38;
	[tilespmem:$0x16100] =	vst v63  }
0xbc: {  	_ = 	snop  }
0xbd: {  	[tilespmem:s12], [sflag:$0x2] =	stream.linear.gather [hbm4b:s19+s4], $0x2800, $0x38;
	[tilespmem:$0x16100] =	vst v63  }
0xbe: {  	_ =	swait.ge [sflag:s16], $0x50  }
0xbf: {  	[sflag:s16] =	ssyncset.done $0x0  }
0xc0: {  	[sflag:s16] =	ssyncadd.s32 $0xFFFFFFB0  }
0xc1: {  	s19 =	sadd.s32 $0x0, s0;
	_ =	swait.ge [sflag:s17], $0x2800  }
0xc2: {  	p0 =	slt.s32 s19, $0x7C;
	[sflag:s17] =	ssyncset.done $0x0  }
0xc3: {  	s19 =	simm.s32 @!p0 $0x7C;
	[sflag:s17] =	ssyncadd.s32 $0xFFFFD800  }
0xc4: {  	[spmem:s2] =	stream.indirect.scatter.add.f32 [tilespmem:s12], [sflag:$0x3], $0x80, s15, s14, $0xb8;
	[tilespmem:$0x16100] =	vst v63  }
0xc5: {  	s30 =	smul.u32 $0x50, s19;
	_ =	swait.ge [sflag:s13], $0x2800  }
0xc6: {  	[sflag:s13] =	ssyncset.done $0x0  }
0xc7: {  	s21 =	sadd.s32 $0x40, s30;
	[sflag:s13] =	ssyncadd.s32 $0xFFFFD800  }
0xc8: {  	s19 =	simm.s32 $0x20;
	s22 =	sadd.s32 $0x20, s30;
	v1 =	vor.u32 s21, v0;
	[bflag:$0x0] =	sbarrier.arrive $0xFFFF  }
0xc9: {  	s31 =	sadd.s32 $0x10, s30;
	s23 =	sadd.s32 s3, s30;
	v3 =	vor.u32 s22, v0;
	s22 =	sadd.s32 $0x10, s0;
	[tilespmem:$0x138C0] =	vst v1  }
0xca: {  	s20 =	sadd.s32 $0x30, s30;
	v2 =	vor.u32 s31, v0;
	s21 =	sshll.u32 s23, $0x4;
	p1 =	slt.s32 s22, $0x7C;
	v1 =	vor.u32 s30, v0;
	[tilespmem:$0x138A0] =	vst v3  }
.LBB2_12:
0xcb: {  	p0 =	sne.s32 s19, $0x70  }
0xcc: {  	s22 =	simm.s32 @!p1 $0x7C;
	[tilespmem:$0x13890] =	vst v2;
	s23 =	smov.u32 s19;
	s19 =	sadd.s32 $0x10, s19  }
0xcd: {  	[tilespmem:$0x13880] =	vst v1;
	v1 =	vor.u32 s20, v0  }
0xce: {  	s21 =	sadd.s32 s7, s21;
	s22 =	smul.u32 $0x50, s22;
	[tilespmem:$0x138B0] =	vst v1  }
0xcf: {  	[tilespmem:s12], [sflag:$0x3] =	stream.indirect.gather [spmem:s2], $0x80, s15, s14, $0xb8;
	[tilespmem:$0x16100] =	vst v63  }
0xd0: {  	v1 =	vor.u32 s22, v0;
	s20 =	sadd.s32 $0x10, s22;
	s24 =	sadd.s32 $0x20, s22;
	_ =	swait.ge [sflag:s13], $0x2800  }
0xd1: {  	v2 =	vor.u32 s20, v0;
	v3 =	vor.u32 s24, v0;
	s20 =	sadd.s32 $0x30, s22;
	s24 =	sadd.s32 $0x40, s22;
	[sflag:s13] =	ssyncset.done $0x0  }
0xd2: {  	s22 =	sadd.s32 s3, s22;
	v4 =	vor.u32 s24, v0;
	[sflag:s13] =	ssyncadd.s32 $0xFFFFD800  }
0xd3: {  	[hbm4b:s21+s4] =	stream.linear.scatter [tilespmem:s12], [sflag:$0x3], $0x2800, $0x38;
	[tilespmem:$0x16100] =	vst v63  }
.Ltmp5:
0xd4: {  	s21 =	sshll.u32 s22, $0x4;
	_ =	swait.ge [sflag:s13], $0x2800;
	(pc) =	sbr.rel @p0 .LBB2_12-.Ltmp5, $4  }
0xd5: {  	[sflag:s13] =	ssyncset.done $0x0  }
0xd6: {  	[sflag:s13] =	ssyncadd.s32 $0xFFFFD800  }
0xd7: {  	s22 =	sadd.s32 s23, s0;
	[tilespmem:$0x138C0] =	vst v4  }
0xd8: {  	p1 =	slt.s32 s22, $0x7C;
	[tilespmem:$0x138A0] =	vst v3  }
0xd9: {  	[tilespmem:$0x13890] =	vst v2  }
0xda: {  	[tilespmem:$0x13880] =	vst v1;
	v1 =	vor.u32 s20, v0  }
0xdb: {  	[tilespmem:$0x138B0] =	vst v1  }
0xdc: {  	[tilespmem:s12], [sflag:$0x3] =	stream.indirect.gather [spmem:s2], $0x80, s15, s14, $0xb8;
	[tilespmem:$0x16100] =	vst v63  }
0xdd: {  	_ =	swait.ge [sflag:s13], $0x2800  }
0xde: {  	s22 =	simm.s32 @!p1 $0x7C;
	[sflag:s13] =	ssyncset.done $0x0  }
0xdf: {  	s26 =	sadd.s32 s7, s21;
	s19 =	smul.u32 $0x50, s22;
	[sflag:s13] =	ssyncadd.s32 $0xFFFFD800  }
0xe0: {  	[hbm4b:s26+s4] =	stream.linear.scatter [tilespmem:s12], [sflag:$0x3], $0x2800, $0x38;
	[tilespmem:$0x16100] =	vst v63  }
0xe1: {  	_ =	swait.ge [sflag:s13], $0x2800  }
0xe2: {  	s28 =	sadd.s32 $0x40, s19;
	[sflag:s13] =	ssyncset.done $0x0  }
0xe3: {  	s29 =	sadd.s32 $0x20, s19;
	v1 =	vor.u32 s28, v0;
	[sflag:s13] =	ssyncadd.s32 $0xFFFFD800  }
0xe4: {  	s30 =	sadd.s32 $0x10, s19;
	v2 =	vor.u32 s29, v0;
	[tilespmem:$0x138C0] =	vst v1  }
0xe5: {  	v1 =	vor.u32 s30, v0;
	[tilespmem:$0x138A0] =	vst v2  }
0xe6: {  	s31 =	sadd.s32 $0x30, s19;
	v2 =	vor.u32 s19, v0;
	[tilespmem:$0x13890] =	vst v1  }
0xe7: {  	[tilespmem:$0x13880] =	vst v2;
	v1 =	vor.u32 s31, v0  }
0xe8: {  	[tilespmem:$0x138B0] =	vst v1  }
0xe9: {  	[tilespmem:s12], [sflag:$0x3] =	stream.indirect.gather [spmem:s2], $0x80, s15, s14, $0xb8;
	[tilespmem:$0x16100] =	vst v63  }
0xea: {  	s18 =	sadd.s32 $0x1, s18;
	s19 =	sadd.s32 s3, s19;
	_ =	swait.ge [sflag:s13], $0x2800  }
0xeb: {  	p0 =	sne.s32 s18, s8;
	s19 =	sshll.u32 s19, $0x4;
	[sflag:s13] =	ssyncset.done $0x0  }
.Ltmp6:
0xec: {  	s19 =	sadd.s32 s7, s19;
	[sflag:s13] =	ssyncadd.s32 $0xFFFFD800;
	(pc) =	sbr.rel @p0 .LBB2_1-.Ltmp6, $4  }
0xed: {  	[hbm4b:s19+s4] =	stream.linear.scatter [tilespmem:s12], [sflag:$0x3], $0x2800, $0x38;
	[tilespmem:$0x16100] =	vst v63  }
0xee: {  	_ =	swait.ge [sflag:s13], $0x2800  }
0xef: {  	[sflag:s13] =	ssyncset.done $0x0  }
0xf0: {  	[sflag:s13] =	ssyncadd.s32 $0xFFFFD800  }
0xf1: {  	_ =	sfence.sel $0x180000  }
0xf2: {  	[bflag:$0x0] =	sbarrier.arrive $0xFFFF  }
0xf3: {  	p0 =	sne.s32 s0, $0x0;
	_ =	strace $0x9000004A  }
0xf4: {  	s0 =	sadd.s32 @!p0 $0x100000, s1;
	[bflag:$0x2] =	sbarrier.arrive $0xFFFF  }
0xf5: {  	[sflag:s0] =	ssyncadd.tile.s32 @!p0 $0x1;
	_ =	shalt  }
.Lfunc_end2:
_tile_overlayer_lowered:
.L_overlay_start_2:
0xf6: {  	(tag) =	ssettag $0x2  }
0xf7: {  	s0 =	rddreg [dreg:$0x0];
	s2 =	stileid.u32  }
0xf8: {  	s1 =	rddreg [dreg:$0x1];
	p0 =	sne.s32 s2, $0x0  }
0xf9: {  	s3 =	rddreg [dreg:$0x2];
	[bflag:$0x3] =	sbarrier.arrive $0xFFFF;
	s2 =	simm.s32 @!p0 $0x1C03  }
0xfa: {  	[timem:s3], [sflag:s2] =	dma.local @!p0 [hbm:s0], s1  }
0xfb: {  	s0 =	simm.s32 @!p0 $0x3  }
0xfc: {  	_ =	swait.ge @!p0 [sflag:s0], s1  }
0xfd: {  	s1 =	ssub.s32 @!p0 $0x0, s1;
	[sflag:s0] =	ssyncset.done @!p0 $0x0  }
0xfe: {  	[sflag:s0] =	ssyncadd.s32 @!p0 s1  }
0xff: {  	[bflag:$0x3] =	sbarrier.arrive $0xFFFF  }
0x100: {  	_ =	shalt  }

// kernel: kernel.8.cloned.1.call-start
scs
__scs_entry_jumppad:
0x0: {  	(pc) =	sbr.rel $0x88, $3  }
0x1: {  	(tag) =	ssettag $0x0;
	lr =	simm.s32 $0x1  }
0x2: {  	[smem:$0x3F93] =	sst lr;
	_ =	strace $0xD0000000  }
0x3: {  	_ = 	snop  }
0x4: {  	_ = 	snop  }
0x5: {  	_ = 	snop  }
0x6: {  	_ = 	snop  }
0x7: {  	_ = 	snop  }
__scs_overlays_trampoline_lowered:
0x8: {  	[smem:$0x3FA2] =	sst s0  }
0x9: {  	[smem:$0x3FA3] =	sst s1  }
0xa: {  	[smem:$0x3FA4] =	sst s2  }
0xb: {  	[smem:$0x3FA5] =	sst s3  }
0xc: {  	[smem:$0x3FA6] =	sst s4  }
0xd: {  	[smem:$0x3FA7] =	sst s5  }
0xe: {  	[smem:$0x3FA8] =	sst s6  }
0xf: {  	[smem:$0x3FA9] =	sst s7  }
0x10: {  	[smem:$0x3FAA] =	sst s8  }
0x11: {  	[smem:$0x3FAB] =	sst s9;
	s0 =	simm.s32 @!p0 $0x0  }
0x12: {  	s1 =	sld [smem:$0x3F91];
	s0 =	simm.s32 @p0 $0x1  }
0x13: {  	[smem:$0x3FAC] =	sst s0;
	s0 =	simm.s32 @!p1 $0x0  }
0x14: {  	s2 =	sld [smem:$0x3F90];
	s0 =	simm.s32 @p1 $0x1  }
0x15: {  	[smem:$0x3FAD] =	sst s0;
	s0 =	simm.s32 @!p2 $0x0  }
0x16: {  	s3 =	sld [smem:$0x3FDB];
	s0 =	simm.s32 @p2 $0x1  }
0x17: {  	s4 =	simm.s32 $0x1BF5;
	[smem:$0x3FAF] =	sst s0  }
0x18: {  	s0 =	sld [smem:$0x3F92];
	_ =	swait.ge [sflag:s4], $0x0  }
0x19: {  	s7 =	sld [smem:$0x3F93]  }
0x1a: {  	s8 =	sadd.s32 $0xFFFFE003, lr  }
0x1b: {  	s9 =	sadd.s32 $0xFFFFFEF7, lr;
	s5 =	simm.s32 $0xFFFFFFFF;
	p2 =	slt.u32 s8, $0xFFFFF086  }
0x1c: {  	p1 =	slt.u32 s9, $0xF7A;
	s5 =	simm.s32 @!p2 $0x0  }
0x1d: {  	s5 =	simm.s32 @p1 $0x1;
	p0 =	seq.s32 s7, s2  }
0x1e: {  	s7 =	smul.u32 @!p0 $0xF7A, s2;
	p2 =	seq.s32 @!p0 s5, $0x0  }
0x1f: {  	s9 =	smul.u32 $0xF7A, s1;
	s8 =	simm.s32 @!p0 $0x1BF5;
	p2 =	por !p2, p0  }
0x20: {  	[sflag:s8] =	ssyncset.s32 @!p0 $0xFFFFF086;
	s6 =	sadd.s32 @!p0 s3, s7;
	s7 =	simm.s32 @!p0 $0x108  }
0x21: {  	s3 =	sadd.s32 s3, s9;
	s6 =	sadd.s32 @!p0 $0x88, s6;
	s7 =	simm.s32 @p2 $0x1082  }
0x22: {  	[simem:s7], [sflag:s8] =	dma.local @!p0 [hbm:s6], $0xF7A  }
0x23: {  	s9 =	sor.u32 $0xD0000000, s2;
	s6 =	simm.s32 $0x108;
	_ =	swait.ge @!p0 [sflag:s8], $0x0  }
0x24: {  	s3 =	sadd.s32 $0x88, s3;
	s6 =	simm.s32 @!p1 $0x1082;
	[sflag:s4] =	ssyncset.s32 $0xFFFFF086  }
0x25: {  	[simem:s6], [sflag:s4] =	dma.local [hbm:s3], $0xF7A  }
0x26: {  	[smem:$0x3F93] =	sst s1;
	(tag) =	ssettag s2;
	_ =	strace s9  }
0x27: {  	s1 =	sld [smem:$0x3FA3]  }
0x28: {  	s2 =	sld [smem:$0x3FA4]  }
0x29: {  	s4 =	sld [smem:$0x3FA6]  }
0x2a: {  	p0 =	seq.s32 s5, $0x0;
	s5 =	sld [smem:$0x3FA7]  }
0x2b: {  	s6 =	sld [smem:$0x3FA8]  }
0x2c: {  	s7 =	sld [smem:$0x3FA9]  }
0x2d: {  	s3 =	simm.s32 $0x108;
	s8 =	sld [smem:$0x3FAA]  }
0x2e: {  	s3 =	simm.s32 @!p0 $0x1082;
	s9 =	sld [smem:$0x3FAB]  }
0x2f: {  	lr =	sadd.s32 s0, s3;
	s0 =	sld [smem:$0x3FA2]  }
0x30: {  	s3 =	sld [smem:$0x3FA5]  }
0x31: {  	[smem:$0x3FAE] =	sst s10  }
0x32: {  	s10 =	sld [smem:$0x3FAC];
	_ =	sdelay $0x3  }
0x33: {  	p0 =	seq.s32 s10, $0x1;
	s10 =	sld [smem:$0x3FAE];
	_ =	sdelay $0x3  }
0x34: {  	[smem:$0x3FAE] =	sst s10  }
0x35: {  	s10 =	sld [smem:$0x3FAD];
	_ =	sdelay $0x3  }
0x36: {  	p1 =	seq.s32 s10, $0x1;
	s10 =	sld [smem:$0x3FAE];
	_ =	sdelay $0x3  }
0x37: {  	[smem:$0x3FAE] =	sst s10  }
0x38: {  	s10 =	sld [smem:$0x3FAF]  }
0x39: {  	_ = 	snop;
	(pc) =	sbr.ind lr, $3  }
0x3a: {  	_ = 	snop  }
0x3b: {  	_ = 	snop  }
0x3c: {  	p2 =	seq.s32 s10, $0x1;
	s10 =	sld [smem:$0x3FAE]  }
0x3d: {  	_ =	shalt  }
0x3e: {  	_ =	shalt  }
0x3f: {  	_ =	shalt  }
0x40: {  	_ =	shalt  }
0x41: {  	_ =	shalt  }
0x42: {  	_ =	shalt  }
0x43: {  	_ =	shalt  }
0x44: {  	_ =	shalt  }
0x45: {  	_ =	shalt  }
0x46: {  	_ =	shalt  }
0x47: {  	_ =	shalt  }
0x48: {  	_ =	shalt  }
0x49: {  	_ =	shalt  }
0x4a: {  	_ =	shalt  }
0x4b: {  	_ =	shalt  }
0x4c: {  	_ =	shalt  }
0x4d: {  	_ =	shalt  }
0x4e: {  	_ =	shalt  }
0x4f: {  	_ =	shalt  }
0x50: {  	_ =	shalt  }
0x51: {  	_ =	shalt  }
0x52: {  	_ =	shalt  }
0x53: {  	_ =	shalt  }
0x54: {  	_ =	shalt  }
0x55: {  	_ =	shalt  }
0x56: {  	_ =	shalt  }
0x57: {  	_ =	shalt  }
0x58: {  	_ =	shalt  }
0x59: {  	_ =	shalt  }
0x5a: {  	_ =	shalt  }
0x5b: {  	_ =	shalt  }
0x5c: {  	_ =	shalt  }
0x5d: {  	_ =	shalt  }
0x5e: {  	_ =	shalt  }
0x5f: {  	_ =	shalt  }
0x60: {  	_ =	shalt  }
0x61: {  	_ =	shalt  }
0x62: {  	_ =	shalt  }
0x63: {  	_ =	shalt  }
0x64: {  	_ =	shalt  }
0x65: {  	_ =	shalt  }
0x66: {  	_ =	shalt  }
0x67: {  	_ =	shalt  }
0x68: {  	_ =	shalt  }
0x69: {  	_ =	shalt  }
0x6a: {  	_ =	shalt  }
0x6b: {  	_ =	shalt  }
0x6c: {  	_ =	shalt  }
0x6d: {  	_ =	shalt  }
0x6e: {  	_ =	shalt  }
0x6f: {  	_ =	shalt  }
0x70: {  	_ =	shalt  }
0x71: {  	_ =	shalt  }
0x72: {  	_ =	shalt  }
0x73: {  	_ =	shalt  }
0x74: {  	_ =	shalt  }
0x75: {  	_ =	shalt  }
0x76: {  	_ =	shalt  }
0x77: {  	_ =	shalt  }
0x78: {  	_ =	shalt  }
0x79: {  	_ =	shalt  }
0x7a: {  	_ =	shalt  }
0x7b: {  	_ =	shalt  }
0x7c: {  	_ =	shalt  }
0x7d: {  	_ =	shalt  }
0x7e: {  	_ =	shalt  }
0x7f: {  	_ =	shalt  }
0x80: {  	_ =	shalt  }
0x81: {  	_ =	shalt  }
0x82: {  	_ =	shalt  }
0x83: {  	_ =	shalt  }
0x84: {  	_ =	shalt  }
0x85: {  	_ =	shalt  }
0x86: {  	_ =	shalt  }
0x87: {  	_ =	shalt  }
.Lfunc_end0:
.L_simem_size_0:
called_computation_lowered:
.L_overlay_start_0:
0x88: {  	s2 =	sld [smem:$0x3FD9]  }
0x89: {  	s3 =	sld [smem:$0x3FFE];
	_ =	sdelay $0x1  }
0x8a: {  	s1 =	srdreg.scid  }
0x8b: {  	s0 =	sand.u32 $0x1, s1  }
0x8c: {  	s17 =	sshll.u32 s0, $0xA;
	s2 =	sadd.s32 s3, s2  }
0x8d: {  	s2 =	sadd.s32 s2, s17  }
0x8e: {  	[smem:$0x3FBA] =	sst s2  }
0x8f: {  	_ = 	snop  }
0x90: {  	s2 =	sld [smem:$0x3FD0];
	(tm) =	ssettm $0x1  }
0x91: {  	s18 =	sld [smem:$0x3FFB];
	_ =	sdelay $0x3  }
0x92: {  	_ =	strace s18  }
0x93: {  	s3 =	sld [smem:$0x3FFC];
	_ =	sdelay $0x3  }
0x94: {  	_ =	strace s3  }
0x95: {  	s3 =	sld [smem:$0x3FFD];
	_ =	sdelay $0x3  }
0x96: {  	_ =	strace s3  }
0x97: {  	_ =	strace $0x8FFFFFFF  }
0x98: {  	s19 =	sld [smem:$0x3FDB];
	_ =	sdelay $0x1  }
0x99: {  	s4 =	simm.s32 $_scs_section_size  }
0x9a: {  	s5 =	simm.s32 $_size__tile_overlayer_lowered;
	s6 =	simm.s32 $_tile_overlayer_lowered  }
0x9b: {  	s22 =	simm.s32 $0x1BFF;
	s21 =	sshll.u32 s6, $0x1;
	s3 =	sadd.s32 s4, s19  }
0x9c: {  	s7 =	simm.s32 $0x0;
	s20 =	sshll.u32 s5, $0x1;
	s5 =	sadd.s32 s21, s3  }
0x9d: {  	[timem:s7], [sflag:s22] =	dma.local [hbm:s5], s20  }
0x9e: {  	_ =	swait.ge [sflag:s22], s20  }
0x9f: {  	s4 =	ssub.s32 $0x0, s20;
	[sflag:s22] =	ssyncset.done $0x0  }
0xa0: {  	[sflag:s22] =	ssyncadd.s32 s4;
	_ =	sdelay $0x1  }
0xa1: {  	s23 =	simm.s32 $0x1B8B  }
0xa2: {  	_ =	swait.ge [sflag:s23], $0x1  }
0xa3: {  	[sflag:s23] =	ssyncset.done $0x0  }
0xa4: {  	s25 =	simm.s32 $0x1B8E;
	s24 =	sld [smem:$0x3FFE];
	[sflag:s23] =	ssyncadd.s32 $0xFFFFFFFF  }
0xa5: {  	s26 =	simm.s32 $execute0_lowered;
	[smem:$0x3FD2] =	sst s25  }
0xa6: {  	s5 =	sshll.u32 s26, $0x1;
	_ =	strace $0x80000046;
	[dreg:$0x1] =	wrdreg $0xFFFFFFFF  }
0xa7: {  	s28 =	simm.s32 $_size_execute0_lowered;
	s3 =	sadd.s32 s3, s5;
	[dreg:$0x0] =	wrdreg $0x0  }
0xa8: {  	s5 =	sshll.u32 s28, $0x1;
	[dreg:$0x2] =	wrdreg s3  }
0xa9: {  	[dreg:$0x3] =	wrdreg s5  }
0xaa: {  	[dreg:$0x4] =	wrdreg $0xC0  }
0xab: {  	_ =	task [dreg:s7], $0x5FFFF  }
0xac: {  	[dreg:$0x1] =	wrdreg $0xFFFFFFFF  }
0xad: {  	[dreg:$0x0] =	wrdreg $0x60  }
0xae: {  	[dreg:$0x2] =	wrdreg s24  }
0xaf: {  	[dreg:$0x3] =	wrdreg s2  }
0xb0: {  	[dreg:$0x4] =	wrdreg $0x9  }
0xb1: {  	_ =	task.clear_ibuf [dreg:s7], $0x5FFFF;
	_ =	strace $0x90000046  }
0xb2: {  	s29 =	simm.s32 $0x9;
	_ =	strace $0x80000048  }
0xb3: {  	_ =	swait.ge [sflag:s29], $0x1  }
0xb4: {  	[sflag:s29] =	ssyncadd.s32 $0xFFFFFFFF  }
0xb5: {  	_ =	strace $0x90000048  }
0xb6: {  	_ =	sfence  }
0xb7: {  	s30 =	sld [smem:$0x0];
	_ =	sdelay $0x2  }
0xb8: {  	s31 =	sshll.u32 s1, $0xD;
	s1 =	sshrl.u32 s1, $0x2  }
0xb9: {  	s3 =	sand.u32 $0x4000, s31;
	s1 =	sadd.s32 s1, s30  }
0xba: {  	s0 =	sor.u32 s3, s0;
	s1 =	sshll.u32 s1, $0x11  }
0xbb: {  	s0 =	sor.u32 s1, s0  }
0xbc: {  	s0 =	sadd.s32 $0x8F2B, s0  }
0xbd: {  	[sflag:s0] =	ssyncadd.remote.s32 $0x1  }
0xbe: {  	_ =	sfence.sel $0xFFFF  }
0xbf: {  	[dreg:$0x0] =	wrdreg $0xFFFFFFFF;
	(pc) =	sbr.abs _section_cstart, $3  }
0xc0: {  	[dreg:$0x1] =	wrdreg $0xFFFFFFFF  }
0xc1: {  	_ =	task.clear_ibuf [dreg:s7], $0x2FFFF;
	_ =	strace $0x9FFFFFFF  }
0xc2: {  	(tm) =	ssettm $0x7FFFFFFF  }
0xc3: {  	_ =	shalt  }
tec
execute0_lowered:
.L_overlay_start_1:
0x0: {  	(tag) =	ssettag $0x1  }
0x1: {  	s5 =	rddreg [dreg:$0x0]  }
0x2: {  	s2 =	rddreg [dreg:$0x1]  }
0x3: {  	s0 =	rddreg [dreg:$0x2];
	s4 =	srdreg.scid  }
0x4: {  	s1 =	stileid.u32;
	s3 =	simm.s32 $0x0;
	s12 =	simm.s32 $0x2  }
0x5: {  	s13 =	simm.s32 $0x50;
	s14 =	simm.s32 $0x100;
	s7 =	smul.u32 $0x4E20, s1  }
0x6: {  	s15 =	simm.s32 $0x2900;
	s6 =	sand.u32 $0x1, s4;
	s9 =	smul.u32 $0x4E200, s1  }
0x7: {  	s16 =	simm.s32 $0x0;
	[smem:$0x7FF] =	sst s3;
	s8 =	smul.u32 $0x2710, s6  }
0x8: {  	s4 =	sadd.s32 $0x4800, s5;
	s29 =	ssub.s32 $0x2, s6;
	s6 =	smul.u32 $0x27100, s6  }
0x9: {  	_ =	strace $0x80000047;
	s9 =	sadd.s32 s9, s5;
	s10 =	sshrl.u32 s29, $0x1  }
0xa: {  	s7 =	sadd.s32 s8, s7;
	s30 =	ssub.s32 s29, s10;
	s31 =	sadd.s32 s6, s9  }
0xb: {  	s10 =	simm.s32 $0x80;
	s7 =	sshrl.u32 s7, $0x3;
	s6 =	sadd.s32 $0x3F600, s31  }
0xc: {  	s11 =	sadd.s32 s7, s5;
	s5 =	smax.u32 s30, $0x1;
	s7 =	sadd.s32 $0x521600, s31  }
0xd: {  	s8 =	sadd.s32 $0x35800, s11;
	s9 =	sadd.s32 $0x2BA00, s11;
	s11 =	simm.s32 $0x1  }
.LBB2_1:
0xe: {  	s17 =	sadd.s32 $0x0, s9  }
0xf: {  	[tilespmem:s3], [sflag:$0x1] =	stream.linear.gather [hbm4b:s17+s3], $0x50, $0x38;
	[tilespmem:$0x5100] =	vst v63  }
0x10: {  	s31 =	sadd.s32 $0x0, s8  }
0x11: {  	[tilespmem:s10], [sflag:$0x2] =	stream.linear.gather [hbm4b:s31+s3], $0x50, $0x38;
	[tilespmem:$0x5100] =	vst v63  }
0x12: {  	_ =	swait.ge [sflag:s11], $0x50  }
0x13: {  	[sflag:s11] =	ssyncset.done $0x0  }
0x14: {  	[sflag:s11] =	ssyncadd.s32 $0xFFFFFFB0  }
0x15: {  	_ =	swait.ge [sflag:s12], $0x50  }
0x16: {  	[sflag:s12] =	ssyncset.done $0x0  }
0x17: {  	[sflag:s12] =	ssyncadd.s32 $0xFFFFFFB0  }
0x18: {  	[tilespmem:s14], [sflag:$0x1] =	stream.indirect.gather [hbm4b:s4+s13], $0x80, s3, s13, $0xb8;
	[tilespmem:$0x5100] =	vst v63  }
0x19: {  	_ = 	snop  }
0x1a: {  	[tilespmem:s15], [sflag:$0x2] =	stream.indirect.gather [hbm4b:s2+s13], $0x80, s10, s13, $0xb8;
	[tilespmem:$0x5100] =	vst v63  }
0x1b: {  	_ =	swait.ge [sflag:s11], $0x2800  }
0x1c: {  	[sflag:s11] =	ssyncset.done $0x0  }
0x1d: {  	[sflag:s11] =	ssyncadd.s32 $0xFFFFD800  }
0x1e: {  	_ =	swait.ge [sflag:s12], $0x2800  }
0x1f: {  	[sflag:s12] =	ssyncset.done $0x0  }
0x20: {  	[sflag:s12] =	ssyncadd.s32 $0xFFFFD800  }
0x21: {  	[hbm4b:s6+s3] =	stream.linear.scatter [tilespmem:s14], [sflag:$0x1], $0x2800, $0x38;
	[tilespmem:$0x5100] =	vst v63  }
0x22: {  	_ = 	snop  }
0x23: {  	[hbm4b:s7+s3] =	stream.linear.scatter [tilespmem:s15], [sflag:$0x2], $0x2800, $0x38;
	[tilespmem:$0x5100] =	vst v63  }
0x24: {  	_ =	swait.ge [sflag:s11], $0x2800  }
0x25: {  	[sflag:s11] =	ssyncset.done $0x0  }
0x26: {  	[sflag:s11] =	ssyncadd.s32 $0xFFFFD800  }
0x27: {  	s19 =	simm.s32 $0xA;
	s20 =	simm.s32 $0x14;
	_ =	swait.ge [sflag:s12], $0x2800  }
0x28: {  	s18 =	sadd.s32 $0x500, s7;
	s17 =	sadd.s32 $0x500, s6;
	[sflag:s12] =	ssyncset.done $0x0  }
.LBB2_2:
0x29: {  	s21 =	sadd.s32 s19, s9  }
0x2a: {  	[sflag:s12] =	ssyncadd.s32 $0xFFFFD800;
	s22 =	smov.u32 s20;
	s23 =	sadd.s32 $0xA, s20  }
0x2b: {  	[tilespmem:s3], [sflag:$0x1] =	stream.linear.gather [hbm4b:s21+s3], $0x50, $0x38;
	[tilespmem:$0x5100] =	vst v63  }
0x2c: {  	p0 =	sne.s32 s20, $0x4D8;
	s20 =	sadd.s32 s19, s8;
	s19 =	smov.u32 s22  }
0x2d: {  	[tilespmem:s10], [sflag:$0x2] =	stream.linear.gather [hbm4b:s20+s3], $0x50, $0x38;
	[tilespmem:$0x5100] =	vst v63  }
0x2e: {  	_ =	swait.ge [sflag:s11], $0x50  }
0x2f: {  	[sflag:s11] =	ssyncset.done $0x0  }
0x30: {  	[sflag:s11] =	ssyncadd.s32 $0xFFFFFFB0  }
0x31: {  	_ =	swait.ge [sflag:s12], $0x50  }
0x32: {  	[sflag:s12] =	ssyncset.done $0x0  }
0x33: {  	[sflag:s12] =	ssyncadd.s32 $0xFFFFFFB0  }
0x34: {  	[tilespmem:s14], [sflag:$0x1] =	stream.indirect.gather [hbm4b:s4+s13], $0x80, s3, s13, $0xb8;
	[tilespmem:$0x5100] =	vst v63  }
0x35: {  	_ = 	snop  }
0x36: {  	[tilespmem:s15], [sflag:$0x2] =	stream.indirect.gather [hbm4b:s2+s13], $0x80, s10, s13, $0xb8;
	[tilespmem:$0x5100] =	vst v63  }
0x37: {  	_ =	swait.ge [sflag:s11], $0x2800  }
0x38: {  	[sflag:s11] =	ssyncset.done $0x0  }
0x39: {  	[sflag:s11] =	ssyncadd.s32 $0xFFFFD800  }
0x3a: {  	_ =	swait.ge [sflag:s12], $0x2800  }
0x3b: {  	[sflag:s12] =	ssyncset.done $0x0  }
0x3c: {  	[sflag:s12] =	ssyncadd.s32 $0xFFFFD800  }
0x3d: {  	[hbm4b:s17+s3] =	stream.linear.scatter [tilespmem:s14], [sflag:$0x1], $0x2800, $0x38;
	[tilespmem:$0x5100] =	vst v63  }
0x3e: {  	_ = 	snop  }
0x3f: {  	[hbm4b:s18+s3] =	stream.linear.scatter [tilespmem:s15], [sflag:$0x2], $0x2800, $0x38;
	[tilespmem:$0x5100] =	vst v63  }
.Ltmp0:
0x40: {  	_ =	swait.ge [sflag:s11], $0x2800;
	(pc) =	sbr.rel @p0 .LBB2_2-.Ltmp0, $4  }
0x41: {  	[sflag:s11] =	ssyncset.done $0x0  }
0x42: {  	[sflag:s11] =	ssyncadd.s32 $0xFFFFD800  }
0x43: {  	s20 =	smov.u32 s23;
	_ =	swait.ge [sflag:s12], $0x2800  }
0x44: {  	s17 =	sadd.s32 $0x500, s17;
	s18 =	sadd.s32 $0x500, s18;
	[sflag:s12] =	ssyncset.done $0x0  }
0x45: {  	s20 =	sadd.s32 s19, s9;
	[sflag:s12] =	ssyncadd.s32 $0xFFFFD800  }
0x46: {  	[tilespmem:s3], [sflag:$0x1] =	stream.linear.gather [hbm4b:s20+s3], $0x50, $0x38;
	[tilespmem:$0x5100] =	vst v63  }
0x47: {  	s31 =	sadd.s32 s19, s8  }
0x48: {  	[tilespmem:s10], [sflag:$0x2] =	stream.linear.gather [hbm4b:s31+s3], $0x50, $0x38;
	[tilespmem:$0x5100] =	vst v63  }
0x49: {  	_ =	swait.ge [sflag:s11], $0x50  }
0x4a: {  	[sflag:s11] =	ssyncset.done $0x0  }
0x4b: {  	[sflag:s11] =	ssyncadd.s32 $0xFFFFFFB0  }
0x4c: {  	_ =	swait.ge [sflag:s12], $0x50  }
0x4d: {  	[sflag:s12] =	ssyncset.done $0x0  }
0x4e: {  	[sflag:s12] =	ssyncadd.s32 $0xFFFFFFB0  }
0x4f: {  	[tilespmem:s14], [sflag:$0x1] =	stream.indirect.gather [hbm4b:s4+s13], $0x80, s3, s13, $0xb8;
	[tilespmem:$0x5100] =	vst v63  }
0x50: {  	_ = 	snop  }
0x51: {  	[tilespmem:s15], [sflag:$0x2] =	stream.indirect.gather [hbm4b:s2+s13], $0x80, s10, s13, $0xb8;
	[tilespmem:$0x5100] =	vst v63  }
0x52: {  	_ =	swait.ge [sflag:s11], $0x2800  }
0x53: {  	[sflag:s11] =	ssyncset.done $0x0  }
0x54: {  	[sflag:s11] =	ssyncadd.s32 $0xFFFFD800  }
0x55: {  	_ =	swait.ge [sflag:s12], $0x2800  }
0x56: {  	[sflag:s12] =	ssyncset.done $0x0  }
0x57: {  	[sflag:s12] =	ssyncadd.s32 $0xFFFFD800  }
0x58: {  	[hbm4b:s17+s3] =	stream.linear.scatter [tilespmem:s14], [sflag:$0x1], $0x2800, $0x38;
	[tilespmem:$0x5100] =	vst v63  }
0x59: {  	s16 =	sadd.s32 $0x1, s16  }
0x5a: {  	[hbm4b:s18+s3] =	stream.linear.scatter [tilespmem:s15], [sflag:$0x2], $0x2800, $0x38;
	[tilespmem:$0x5100] =	vst v63  }
0x5b: {  	p0 =	sne.s32 s16, s5;
	_ =	swait.ge [sflag:s11], $0x2800  }
.Ltmp1:
0x5c: {  	[sflag:s11] =	ssyncset.done $0x0;
	(pc) =	sbr.rel @p0 .LBB2_1-.Ltmp1, $4  }
0x5d: {  	[sflag:s11] =	ssyncadd.s32 $0xFFFFD800  }
0x5e: {  	_ =	swait.ge [sflag:s12], $0x2800  }
0x5f: {  	[sflag:s12] =	ssyncset.done $0x0  }
0x60: {  	[sflag:s12] =	ssyncadd.s32 $0xFFFFD800  }
0x61: {  	_ =	sfence.sel $0x180000  }
0x62: {  	[bflag:$0x0] =	sbarrier.arrive $0xFFFF  }
0x63: {  	p0 =	sne.s32 s1, $0x0;
	_ =	strace $0x90000047  }
0x64: {  	s0 =	sadd.s32 @!p0 $0x100000, s0;
	[bflag:$0x2] =	sbarrier.arrive $0xFFFF  }
0x65: {  	[sflag:s0] =	ssyncadd.tile.s32 @!p0 $0x1;
	_ =	shalt  }
.Lfunc_end2:
_tile_overlayer_lowered:
.L_overlay_start_2:
0x66: {  	(tag) =	ssettag $0x2  }
0x67: {  	s0 =	rddreg [dreg:$0x0];
	s2 =	stileid.u32  }
0x68: {  	s1 =	rddreg [dreg:$0x1];
	p0 =	sne.s32 s2, $0x0  }
0x69: {  	s3 =	rddreg [dreg:$0x2];
	[bflag:$0x3] =	sbarrier.arrive $0xFFFF;
	s2 =	simm.s32 @!p0 $0x1C03  }
0x6a: {  	[timem:s3], [sflag:s2] =	dma.local @!p0 [hbm:s0], s1  }
0x6b: {  	s0 =	simm.s32 @!p0 $0x3  }
0x6c: {  	_ =	swait.ge @!p0 [sflag:s0], s1  }
0x6d: {  	s1 =	ssub.s32 @!p0 $0x0, s1;
	[sflag:s0] =	ssyncset.done @!p0 $0x0  }
0x6e: {  	[sflag:s0] =	ssyncadd.s32 @!p0 s1  }
0x6f: {  	[bflag:$0x3] =	sbarrier.arrive $0xFFFF  }
0x70: {  	_ =	shalt  }

</sc_bundles>
